<compile_context>
chip_gen: v7x
topology: tpu7x:2x2x1
jax: 0.10.2.dev20260603
libtpu: 0.0.44.dev20260713+nightly
codegen_flags: <defaults>
</compile_context>

<pallas_src>
import functools

import jax
import jax.numpy as jnp
from jax import lax
from jax.experimental import pallas as pl
from jax.experimental.pallas import tpu as pltpu
from jax.experimental.pallas import tpu_sc as plsc


@jax.jit
def _gather(node, table):
    B, = node.shape
    V, D = table.shape
    cols = lax.optimization_barrier(tuple(table[:, c] for c in range(D)))
    info = plsc.get_sparse_core_info()
    NC, NS = info.num_cores, info.num_subcores
    NW = NC * NS
    b_per_w = B // NW
    CH = 128
    n_ch = b_per_w // CH
    mesh = plsc.VectorSubcoreMesh(core_axis_name="c", subcore_axis_name="s")

    @functools.partial(
        pl.kernel,
        mesh=mesh,
        out_type=jax.ShapeDtypeStruct((D, B), jnp.float32),
        scratch_types=[
            pltpu.VMEM((n_ch, CH), jnp.int32),
            pltpu.VMEM((D, b_per_w), jnp.float32),
            pltpu.SemaphoreType.DMA,
        ],
        compiler_params=pltpu.CompilerParams(needs_layout_passes=False),
    )
    def k(node_hbm, c0, c1, c2, c3, out_hbm, nd_v, colbuf, sem):
        wid = lax.axis_index("s") * NC + lax.axis_index("c")
        base = wid * b_per_w
        pltpu.sync_copy(node_hbm.at[pl.ds(wid * n_ch, n_ch)], nd_v)

        copies = []
        for ci, col in enumerate((c0, c1, c2, c3)):
            for j in range(n_ch):
                copies.append(pltpu.async_copy(
                    col.at[nd_v.at[j]],
                    colbuf.at[ci, pl.ds(j * CH, CH)],
                    sem,
                ))
        for c in copies:
            c.wait()

        for ci in range(D):
            pltpu.sync_copy(
                colbuf.at[ci],
                out_hbm.at[ci, pl.ds(base, b_per_w)],
            )

    node2d = node.reshape(B // CH, CH)
    return k(node2d, *cols).T


def kernel(node, table):
    return _gather(node.astype(jnp.int32), table)

# --- scband reference (transcript-rebuilt; emitter-appended) ---
"""Pipeline reference for scband-spatial-embedding-55551107007290 (READ-ONLY COPY).

The authoritative reference and input builder live on the scoring server;
editing this copy changes nothing except your own understanding.
"""

import jax, jax.numpy as jnp
import numpy as np

N_NODES = 100000
EMB_DIM = 4
BATCH = 16384

def setup_inputs(seed: int = 0) -> dict:
    key = jax.random.key(seed)
    k_tab, k_idx = jax.random.split(key)
    # The module precomputes a per-node embedding table of shape [N, 4]:
    # cols 0-1 are normalized lat/lon in [-1, 1], cols 2-3 are laplacian
    # (spectral) embedding coordinates. We materialize it as a dense table.
    table = jax.random.uniform(k_tab, (N_NODES, EMB_DIM), dtype=jnp.float32, minval=-1.0, maxval=1.0)
    node = jax.random.randint(k_idx, (BATCH,), 0, N_NODES, dtype=jnp.int64)
    return {"node": node, "table": table}

def reference(node, table):
    # forward(node) -> self.embeddings[str(node)]; i.e. a row lookup into the
    # precomputed [N, 4] spatial embedding table (batched here).
    return jnp.take(table, node, axis=0)

if __name__ == "__main__":
    import jax
    _d = setup_inputs()
    print(jax.jit(kernel)(*tuple(_d.values())))

</pallas_src>

<mosaic_0001>
#map = affine_map<(d0, d1) -> (0, 0)>
#map1 = affine_map<(d0, d1) -> (0)>
module attributes {stable_mosaic.version = 14 : i64} {
  func.func @k(%arg0: i32, %arg1: i32, %arg2: memref<128x128xi32, #tpu.memory_space<hbm>>, %arg3: memref<100000xf32, #tpu.memory_space<hbm>>, %arg4: memref<100000xf32, #tpu.memory_space<hbm>>, %arg5: memref<100000xf32, #tpu.memory_space<hbm>>, %arg6: memref<100000xf32, #tpu.memory_space<hbm>>, %arg7: memref<4x16384xf32, #tpu.memory_space<hbm>>, %arg8: memref<4x128xi32, #tpu.memory_space<vmem>>, %arg9: memref<4x512xf32, #tpu.memory_space<vmem>>, %arg10: memref<!tpu.dma_semaphore, #tpu.memory_space<semaphore_mem>>) attributes {dimension_semantics = [#tpu.dimension_semantics<core_parallel>, #tpu.dimension_semantics<subcore_parallel>], iteration_bounds = array<i64: 2, 16>, scalar_prefetch = 0 : i64, scratch_operands = 3 : i64, tpu.core_type = #tpu.core_type<sc_vector_subcore>, window_params = [{transform_indices = #map}, {transform_indices = #map1}, {transform_indices = #map1}, {transform_indices = #map1}, {transform_indices = #map1}, {transform_indices = #map}]} {
    %mul3A = arith.constant 2 : i32
    %mul3A_0 = arith.muli %arg1, %mul3A : i32
    %add3A = arith.addi %mul3A_0, %arg0 : i32
    %mul3A_1 = arith.constant 512 : i32
    %mul3A_2 = arith.muli %add3A, %mul3A_1 : i32
    %mul3A_3 = arith.constant 4 : i32
    %mul3A_4 = arith.muli %add3A, %mul3A_3 : i32
    "tpu.region"() ({
      %run_scoped3A_330 = tpu.sem_alloc : memref<!tpu.dma_semaphore, #tpu.memory_space<semaphore_mem>>
      %dma_start3A_331 = arith.constant 0 : i32
      %dma_start3A_332 = tpu.memref_slice %arg2[%mul3A_4, %dma_start3A_331] : memref<128x128xi32, #tpu.memory_space<hbm>> -> memref<4x128xi32, #tpu.memory_space<hbm>>
      %dma_start3A_333 = arith.constant 0 : i32
      %dma_start3A_334 = tpu.memref_slice %arg2[%mul3A_4, %dma_start3A_333] : memref<128x128xi32, #tpu.memory_space<hbm>> -> memref<4x128xi32, #tpu.memory_space<hbm>>
      tpu.enqueue_dma source(%dma_start3A_334 : memref<4x128xi32, #tpu.memory_space<hbm>>) target(%arg8 : memref<4x128xi32, #tpu.memory_space<vmem>>) target_semaphore(%run_scoped3A_330 : memref<!tpu.dma_semaphore, #tpu.memory_space<semaphore_mem>>)
      %dma_wait3A_335 = arith.constant 0 : i32
      %dma_wait3A_336 = tpu.memref_slice %arg2[%mul3A_4, %dma_wait3A_335] : memref<128x128xi32, #tpu.memory_space<hbm>> -> memref<4x128xi32, #tpu.memory_space<hbm>>
      %dma_wait3A_337 = arith.constant 0 : i32
      %dma_wait3A_338 = tpu.memref_slice %arg2[%mul3A_4, %dma_wait3A_337] : memref<128x128xi32, #tpu.memory_space<hbm>> -> memref<4x128xi32, #tpu.memory_space<hbm>>
      tpu.wait_dma2 semaphore(%run_scoped3A_330 : memref<!tpu.dma_semaphore, #tpu.memory_space<semaphore_mem>>) src(%dma_wait3A_338 : memref<4x128xi32, #tpu.memory_space<hbm>>) dst(%arg8 : memref<4x128xi32, #tpu.memory_space<vmem>>)
      tpu.yield
    }) : () -> ()
    %dma_start3A = arith.constant 0 : i32
    %dma_start3A_5 = arith.constant 0 : i32
    %dma_start3A_6 = arith.constant 0 : i32
    %dma_start3A_7 = tpu.memref_slice %arg9[%dma_start3A_5, %dma_start3A_6] : memref<4x512xf32, #tpu.memory_space<vmem>> -> memref<1x128xf32, #tpu.memory_space<vmem>>
    %dma_start3A_8 = tpu.memref_squeeze %dma_start3A_7 : memref<1x128xf32, #tpu.memory_space<vmem>> -> memref<128xf32, #tpu.memory_space<vmem>>
    %dma_start3A_9 = arith.constant 0 : i32
    %dma_start3A_10 = tpu.memref_slice %arg8[%dma_start3A, %dma_start3A_9] : memref<4x128xi32, #tpu.memory_space<vmem>> -> memref<1x128xi32, #tpu.memory_space<vmem>>
    %dma_start3A_11 = tpu.memref_squeeze %dma_start3A_10 : memref<1x128xi32, #tpu.memory_space<vmem>> -> memref<128xi32, #tpu.memory_space<vmem>>
    %dma_start3A_12 = arith.constant 0 : i32
    %dma_start3A_13 = tpu.memref_slice %arg3[%dma_start3A_12] : memref<100000xf32, #tpu.memory_space<hbm>> -> memref<100000xf32, #tpu.memory_space<hbm>>
    tpu.enqueue_indirect_dma source(%dma_start3A_13 : memref<100000xf32, #tpu.memory_space<hbm>>) target(%dma_start3A_8 : memref<128xf32, #tpu.memory_space<vmem>>) offsets(%dma_start3A_11 : memref<128xi32, #tpu.memory_space<vmem>>) semaphore(%arg10 : memref<!tpu.dma_semaphore, #tpu.memory_space<semaphore_mem>>)
    %dma_start3A_14 = arith.constant 1 : i32
    %dma_start3A_15 = arith.constant 0 : i32
    %dma_start3A_16 = arith.constant 128 : i32
    %dma_start3A_17 = tpu.memref_slice %arg9[%dma_start3A_15, %dma_start3A_16] : memref<4x512xf32, #tpu.memory_space<vmem>> -> memref<1x128xf32, #tpu.memory_space<vmem>>
    %dma_start3A_18 = tpu.memref_squeeze %dma_start3A_17 : memref<1x128xf32, #tpu.memory_space<vmem>> -> memref<128xf32, #tpu.memory_space<vmem>>
    %dma_start3A_19 = arith.constant 0 : i32
    %dma_start3A_20 = tpu.memref_slice %arg8[%dma_start3A_14, %dma_start3A_19] : memref<4x128xi32, #tpu.memory_space<vmem>> -> memref<1x128xi32, #tpu.memory_space<vmem>>
    %dma_start3A_21 = tpu.memref_squeeze %dma_start3A_20 : memref<1x128xi32, #tpu.memory_space<vmem>> -> memref<128xi32, #tpu.memory_space<vmem>>
    %dma_start3A_22 = arith.constant 0 : i32
    %dma_start3A_23 = tpu.memref_slice %arg3[%dma_start3A_22] : memref<100000xf32, #tpu.memory_space<hbm>> -> memref<100000xf32, #tpu.memory_space<hbm>>
    tpu.enqueue_indirect_dma source(%dma_start3A_23 : memref<100000xf32, #tpu.memory_space<hbm>>) target(%dma_start3A_18 : memref<128xf32, #tpu.memory_space<vmem>>) offsets(%dma_start3A_21 : memref<128xi32, #tpu.memory_space<vmem>>) semaphore(%arg10 : memref<!tpu.dma_semaphore, #tpu.memory_space<semaphore_mem>>)
    %dma_start3A_24 = arith.constant 2 : i32
    %dma_start3A_25 = arith.constant 0 : i32
    %dma_start3A_26 = arith.constant 256 : i32
    %dma_start3A_27 = tpu.memref_slice %arg9[%dma_start3A_25, %dma_start3A_26] : memref<4x512xf32, #tpu.memory_space<vmem>> -> memref<1x128xf32, #tpu.memory_space<vmem>>
    %dma_start3A_28 = tpu.memref_squeeze %dma_start3A_27 : memref<1x128xf32, #tpu.memory_space<vmem>> -> memref<128xf32, #tpu.memory_space<vmem>>
    %dma_start3A_29 = arith.constant 0 : i32
    %dma_start3A_30 = tpu.memref_slice %arg8[%dma_start3A_24, %dma_start3A_29] : memref<4x128xi32, #tpu.memory_space<vmem>> -> memref<1x128xi32, #tpu.memory_space<vmem>>
    %dma_start3A_31 = tpu.memref_squeeze %dma_start3A_30 : memref<1x128xi32, #tpu.memory_space<vmem>> -> memref<128xi32, #tpu.memory_space<vmem>>
    %dma_start3A_32 = arith.constant 0 : i32
    %dma_start3A_33 = tpu.memref_slice %arg3[%dma_start3A_32] : memref<100000xf32, #tpu.memory_space<hbm>> -> memref<100000xf32, #tpu.memory_space<hbm>>
    tpu.enqueue_indirect_dma source(%dma_start3A_33 : memref<100000xf32, #tpu.memory_space<hbm>>) target(%dma_start3A_28 : memref<128xf32, #tpu.memory_space<vmem>>) offsets(%dma_start3A_31 : memref<128xi32, #tpu.memory_space<vmem>>) semaphore(%arg10 : memref<!tpu.dma_semaphore, #tpu.memory_space<semaphore_mem>>)
    %dma_start3A_34 = arith.constant 3 : i32
    %dma_start3A_35 = arith.constant 0 : i32
    %dma_start3A_36 = arith.constant 384 : i32
    %dma_start3A_37 = tpu.memref_slice %arg9[%dma_start3A_35, %dma_start3A_36] : memref<4x512xf32, #tpu.memory_space<vmem>> -> memref<1x128xf32, #tpu.memory_space<vmem>>
    %dma_start3A_38 = tpu.memref_squeeze %dma_start3A_37 : memref<1x128xf32, #tpu.memory_space<vmem>> -> memref<128xf32, #tpu.memory_space<vmem>>
    %dma_start3A_39 = arith.constant 0 : i32
    %dma_start3A_40 = tpu.memref_slice %arg8[%dma_start3A_34, %dma_start3A_39] : memref<4x128xi32, #tpu.memory_space<vmem>> -> memref<1x128xi32, #tpu.memory_space<vmem>>
    %dma_start3A_41 = tpu.memref_squeeze %dma_start3A_40 : memref<1x128xi32, #tpu.memory_space<vmem>> -> memref<128xi32, #tpu.memory_space<vmem>>
    %dma_start3A_42 = arith.constant 0 : i32
    %dma_start3A_43 = tpu.memref_slice %arg3[%dma_start3A_42] : memref<100000xf32, #tpu.memory_space<hbm>> -> memref<100000xf32, #tpu.memory_space<hbm>>
    tpu.enqueue_indirect_dma source(%dma_start3A_43 : memref<100000xf32, #tpu.memory_space<hbm>>) target(%dma_start3A_38 : memref<128xf32, #tpu.memory_space<vmem>>) offsets(%dma_start3A_41 : memref<128xi32, #tpu.memory_space<vmem>>) semaphore(%arg10 : memref<!tpu.dma_semaphore, #tpu.memory_space<semaphore_mem>>)
    %dma_start3A_44 = arith.constant 0 : i32
    %dma_start3A_45 = arith.constant 1 : i32
    %dma_start3A_46 = arith.constant 0 : i32
    %dma_start3A_47 = tpu.memref_slice %arg9[%dma_start3A_45, %dma_start3A_46] : memref<4x512xf32, #tpu.memory_space<vmem>> -> memref<1x128xf32, #tpu.memory_space<vmem>>
    %dma_start3A_48 = tpu.memref_squeeze %dma_start3A_47 : memref<1x128xf32, #tpu.memory_space<vmem>> -> memref<128xf32, #tpu.memory_space<vmem>>
    %dma_start3A_49 = arith.constant 0 : i32
    %dma_start3A_50 = tpu.memref_slice %arg8[%dma_start3A_44, %dma_start3A_49] : memref<4x128xi32, #tpu.memory_space<vmem>> -> memref<1x128xi32, #tpu.memory_space<vmem>>
    %dma_start3A_51 = tpu.memref_squeeze %dma_start3A_50 : memref<1x128xi32, #tpu.memory_space<vmem>> -> memref<128xi32, #tpu.memory_space<vmem>>
    %dma_start3A_52 = arith.constant 0 : i32
    %dma_start3A_53 = tpu.memref_slice %arg4[%dma_start3A_52] : memref<100000xf32, #tpu.memory_space<hbm>> -> memref<100000xf32, #tpu.memory_space<hbm>>
    tpu.enqueue_indirect_dma source(%dma_start3A_53 : memref<100000xf32, #tpu.memory_space<hbm>>) target(%dma_start3A_48 : memref<128xf32, #tpu.memory_space<vmem>>) offsets(%dma_start3A_51 : memref<128xi32, #tpu.memory_space<vmem>>) semaphore(%arg10 : memref<!tpu.dma_semaphore, #tpu.memory_space<semaphore_mem>>)
    %dma_start3A_54 = arith.constant 1 : i32
    %dma_start3A_55 = arith.constant 1 : i32
    %dma_start3A_56 = arith.constant 128 : i32
    %dma_start3A_57 = tpu.memref_slice %arg9[%dma_start3A_55, %dma_start3A_56] : memref<4x512xf32, #tpu.memory_space<vmem>> -> memref<1x128xf32, #tpu.memory_space<vmem>>
    %dma_start3A_58 = tpu.memref_squeeze %dma_start3A_57 : memref<1x128xf32, #tpu.memory_space<vmem>> -> memref<128xf32, #tpu.memory_space<vmem>>
    %dma_start3A_59 = arith.constant 0 : i32
    %dma_start3A_60 = tpu.memref_slice %arg8[%dma_start3A_54, %dma_start3A_59] : memref<4x128xi32, #tpu.memory_space<vmem>> -> memref<1x128xi32, #tpu.memory_space<vmem>>
    %dma_start3A_61 = tpu.memref_squeeze %dma_start3A_60 : memref<1x128xi32, #tpu.memory_space<vmem>> -> memref<128xi32, #tpu.memory_space<vmem>>
    %dma_start3A_62 = arith.constant 0 : i32
    %dma_start3A_63 = tpu.memref_slice %arg4[%dma_start3A_62] : memref<100000xf32, #tpu.memory_space<hbm>> -> memref<100000xf32, #tpu.memory_space<hbm>>
    tpu.enqueue_indirect_dma source(%dma_start3A_63 : memref<100000xf32, #tpu.memory_space<hbm>>) target(%dma_start3A_58 : memref<128xf32, #tpu.memory_space<vmem>>) offsets(%dma_start3A_61 : memref<128xi32, #tpu.memory_space<vmem>>) semaphore(%arg10 : memref<!tpu.dma_semaphore, #tpu.memory_space<semaphore_mem>>)
    %dma_start3A_64 = arith.constant 2 : i32
    %dma_start3A_65 = arith.constant 1 : i32
    %dma_start3A_66 = arith.constant 256 : i32
    %dma_start3A_67 = tpu.memref_slice %arg9[%dma_start3A_65, %dma_start3A_66] : memref<4x512xf32, #tpu.memory_space<vmem>> -> memref<1x128xf32, #tpu.memory_space<vmem>>
    %dma_start3A_68 = tpu.memref_squeeze %dma_start3A_67 : memref<1x128xf32, #tpu.memory_space<vmem>> -> memref<128xf32, #tpu.memory_space<vmem>>
    %dma_start3A_69 = arith.constant 0 : i32
    %dma_start3A_70 = tpu.memref_slice %arg8[%dma_start3A_64, %dma_start3A_69] : memref<4x128xi32, #tpu.memory_space<vmem>> -> memref<1x128xi32, #tpu.memory_space<vmem>>
    %dma_start3A_71 = tpu.memref_squeeze %dma_start3A_70 : memref<1x128xi32, #tpu.memory_space<vmem>> -> memref<128xi32, #tpu.memory_space<vmem>>
    %dma_start3A_72 = arith.constant 0 : i32
    %dma_start3A_73 = tpu.memref_slice %arg4[%dma_start3A_72] : memref<100000xf32, #tpu.memory_space<hbm>> -> memref<100000xf32, #tpu.memory_space<hbm>>
    tpu.enqueue_indirect_dma source(%dma_start3A_73 : memref<100000xf32, #tpu.memory_space<hbm>>) target(%dma_start3A_68 : memref<128xf32, #tpu.memory_space<vmem>>) offsets(%dma_start3A_71 : memref<128xi32, #tpu.memory_space<vmem>>) semaphore(%arg10 : memref<!tpu.dma_semaphore, #tpu.memory_space<semaphore_mem>>)
    %dma_start3A_74 = arith.constant 3 : i32
    %dma_start3A_75 = arith.constant 1 : i32
    %dma_start3A_76 = arith.constant 384 : i32
    %dma_start3A_77 = tpu.memref_slice %arg9[%dma_start3A_75, %dma_start3A_76] : memref<4x512xf32, #tpu.memory_space<vmem>> -> memref<1x128xf32, #tpu.memory_space<vmem>>
    %dma_start3A_78 = tpu.memref_squeeze %dma_start3A_77 : memref<1x128xf32, #tpu.memory_space<vmem>> -> memref<128xf32, #tpu.memory_space<vmem>>
    %dma_start3A_79 = arith.constant 0 : i32
    %dma_start3A_80 = tpu.memref_slice %arg8[%dma_start3A_74, %dma_start3A_79] : memref<4x128xi32, #tpu.memory_space<vmem>> -> memref<1x128xi32, #tpu.memory_space<vmem>>
    %dma_start3A_81 = tpu.memref_squeeze %dma_start3A_80 : memref<1x128xi32, #tpu.memory_space<vmem>> -> memref<128xi32, #tpu.memory_space<vmem>>
    %dma_start3A_82 = arith.constant 0 : i32
    %dma_start3A_83 = tpu.memref_slice %arg4[%dma_start3A_82] : memref<100000xf32, #tpu.memory_space<hbm>> -> memref<100000xf32, #tpu.memory_space<hbm>>
    tpu.enqueue_indirect_dma source(%dma_start3A_83 : memref<100000xf32, #tpu.memory_space<hbm>>) target(%dma_start3A_78 : memref<128xf32, #tpu.memory_space<vmem>>) offsets(%dma_start3A_81 : memref<128xi32, #tpu.memory_space<vmem>>) semaphore(%arg10 : memref<!tpu.dma_semaphore, #tpu.memory_space<semaphore_mem>>)
    %dma_start3A_84 = arith.constant 0 : i32
    %dma_start3A_85 = arith.constant 2 : i32
    %dma_start3A_86 = arith.constant 0 : i32
    %dma_start3A_87 = tpu.memref_slice %arg9[%dma_start3A_85, %dma_start3A_86] : memref<4x512xf32, #tpu.memory_space<vmem>> -> memref<1x128xf32, #tpu.memory_space<vmem>>
    %dma_start3A_88 = tpu.memref_squeeze %dma_start3A_87 : memref<1x128xf32, #tpu.memory_space<vmem>> -> memref<128xf32, #tpu.memory_space<vmem>>
    %dma_start3A_89 = arith.constant 0 : i32
    %dma_start3A_90 = tpu.memref_slice %arg8[%dma_start3A_84, %dma_start3A_89] : memref<4x128xi32, #tpu.memory_space<vmem>> -> memref<1x128xi32, #tpu.memory_space<vmem>>
    %dma_start3A_91 = tpu.memref_squeeze %dma_start3A_90 : memref<1x128xi32, #tpu.memory_space<vmem>> -> memref<128xi32, #tpu.memory_space<vmem>>
    %dma_start3A_92 = arith.constant 0 : i32
    %dma_start3A_93 = tpu.memref_slice %arg5[%dma_start3A_92] : memref<100000xf32, #tpu.memory_space<hbm>> -> memref<100000xf32, #tpu.memory_space<hbm>>
    tpu.enqueue_indirect_dma source(%dma_start3A_93 : memref<100000xf32, #tpu.memory_space<hbm>>) target(%dma_start3A_88 : memref<128xf32, #tpu.memory_space<vmem>>) offsets(%dma_start3A_91 : memref<128xi32, #tpu.memory_space<vmem>>) semaphore(%arg10 : memref<!tpu.dma_semaphore, #tpu.memory_space<semaphore_mem>>)
    %dma_start3A_94 = arith.constant 1 : i32
    %dma_start3A_95 = arith.constant 2 : i32
    %dma_start3A_96 = arith.constant 128 : i32
    %dma_start3A_97 = tpu.memref_slice %arg9[%dma_start3A_95, %dma_start3A_96] : memref<4x512xf32, #tpu.memory_space<vmem>> -> memref<1x128xf32, #tpu.memory_space<vmem>>
    %dma_start3A_98 = tpu.memref_squeeze %dma_start3A_97 : memref<1x128xf32, #tpu.memory_space<vmem>> -> memref<128xf32, #tpu.memory_space<vmem>>
    %dma_start3A_99 = arith.constant 0 : i32
    %dma_start3A_100 = tpu.memref_slice %arg8[%dma_start3A_94, %dma_start3A_99] : memref<4x128xi32, #tpu.memory_space<vmem>> -> memref<1x128xi32, #tpu.memory_space<vmem>>
    %dma_start3A_101 = tpu.memref_squeeze %dma_start3A_100 : memref<1x128xi32, #tpu.memory_space<vmem>> -> memref<128xi32, #tpu.memory_space<vmem>>
    %dma_start3A_102 = arith.constant 0 : i32
    %dma_start3A_103 = tpu.memref_slice %arg5[%dma_start3A_102] : memref<100000xf32, #tpu.memory_space<hbm>> -> memref<100000xf32, #tpu.memory_space<hbm>>
    tpu.enqueue_indirect_dma source(%dma_start3A_103 : memref<100000xf32, #tpu.memory_space<hbm>>) target(%dma_start3A_98 : memref<128xf32, #tpu.memory_space<vmem>>) offsets(%dma_start3A_101 : memref<128xi32, #tpu.memory_space<vmem>>) semaphore(%arg10 : memref<!tpu.dma_semaphore, #tpu.memory_space<semaphore_mem>>)
    %dma_start3A_104 = arith.constant 2 : i32
    %dma_start3A_105 = arith.constant 2 : i32
    %dma_start3A_106 = arith.constant 256 : i32
    %dma_start3A_107 = tpu.memref_slice %arg9[%dma_start3A_105, %dma_start3A_106] : memref<4x512xf32, #tpu.memory_space<vmem>> -> memref<1x128xf32, #tpu.memory_space<vmem>>
    %dma_start3A_108 = tpu.memref_squeeze %dma_start3A_107 : memref<1x128xf32, #tpu.memory_space<vmem>> -> memref<128xf32, #tpu.memory_space<vmem>>
    %dma_start3A_109 = arith.constant 0 : i32
    %dma_start3A_110 = tpu.memref_slice %arg8[%dma_start3A_104, %dma_start3A_109] : memref<4x128xi32, #tpu.memory_space<vmem>> -> memref<1x128xi32, #tpu.memory_space<vmem>>
    %dma_start3A_111 = tpu.memref_squeeze %dma_start3A_110 : memref<1x128xi32, #tpu.memory_space<vmem>> -> memref<128xi32, #tpu.memory_space<vmem>>
    %dma_start3A_112 = arith.constant 0 : i32
    %dma_start3A_113 = tpu.memref_slice %arg5[%dma_start3A_112] : memref<100000xf32, #tpu.memory_space<hbm>> -> memref<100000xf32, #tpu.memory_space<hbm>>
    tpu.enqueue_indirect_dma source(%dma_start3A_113 : memref<100000xf32, #tpu.memory_space<hbm>>) target(%dma_start3A_108 : memref<128xf32, #tpu.memory_space<vmem>>) offsets(%dma_start3A_111 : memref<128xi32, #tpu.memory_space<vmem>>) semaphore(%arg10 : memref<!tpu.dma_semaphore, #tpu.memory_space<semaphore_mem>>)
    %dma_start3A_114 = arith.constant 3 : i32
    %dma_start3A_115 = arith.constant 2 : i32
    %dma_start3A_116 = arith.constant 384 : i32
    %dma_start3A_117 = tpu.memref_slice %arg9[%dma_start3A_115, %dma_start3A_116] : memref<4x512xf32, #tpu.memory_space<vmem>> -> memref<1x128xf32, #tpu.memory_space<vmem>>
    %dma_start3A_118 = tpu.memref_squeeze %dma_start3A_117 : memref<1x128xf32, #tpu.memory_space<vmem>> -> memref<128xf32, #tpu.memory_space<vmem>>
    %dma_start3A_119 = arith.constant 0 : i32
    %dma_start3A_120 = tpu.memref_slice %arg8[%dma_start3A_114, %dma_start3A_119] : memref<4x128xi32, #tpu.memory_space<vmem>> -> memref<1x128xi32, #tpu.memory_space<vmem>>
    %dma_start3A_121 = tpu.memref_squeeze %dma_start3A_120 : memref<1x128xi32, #tpu.memory_space<vmem>> -> memref<128xi32, #tpu.memory_space<vmem>>
    %dma_start3A_122 = arith.constant 0 : i32
    %dma_start3A_123 = tpu.memref_slice %arg5[%dma_start3A_122] : memref<100000xf32, #tpu.memory_space<hbm>> -> memref<100000xf32, #tpu.memory_space<hbm>>
    tpu.enqueue_indirect_dma source(%dma_start3A_123 : memref<100000xf32, #tpu.memory_space<hbm>>) target(%dma_start3A_118 : memref<128xf32, #tpu.memory_space<vmem>>) offsets(%dma_start3A_121 : memref<128xi32, #tpu.memory_space<vmem>>) semaphore(%arg10 : memref<!tpu.dma_semaphore, #tpu.memory_space<semaphore_mem>>)
    %dma_start3A_124 = arith.constant 0 : i32
    %dma_start3A_125 = arith.constant 3 : i32
    %dma_start3A_126 = arith.constant 0 : i32
    %dma_start3A_127 = tpu.memref_slice %arg9[%dma_start3A_125, %dma_start3A_126] : memref<4x512xf32, #tpu.memory_space<vmem>> -> memref<1x128xf32, #tpu.memory_space<vmem>>
    %dma_start3A_128 = tpu.memref_squeeze %dma_start3A_127 : memref<1x128xf32, #tpu.memory_space<vmem>> -> memref<128xf32, #tpu.memory_space<vmem>>
    %dma_start3A_129 = arith.constant 0 : i32
    %dma_start3A_130 = tpu.memref_slice %arg8[%dma_start3A_124, %dma_start3A_129] : memref<4x128xi32, #tpu.memory_space<vmem>> -> memref<1x128xi32, #tpu.memory_space<vmem>>
    %dma_start3A_131 = tpu.memref_squeeze %dma_start3A_130 : memref<1x128xi32, #tpu.memory_space<vmem>> -> memref<128xi32, #tpu.memory_space<vmem>>
    %dma_start3A_132 = arith.constant 0 : i32
    %dma_start3A_133 = tpu.memref_slice %arg6[%dma_start3A_132] : memref<100000xf32, #tpu.memory_space<hbm>> -> memref<100000xf32, #tpu.memory_space<hbm>>
    tpu.enqueue_indirect_dma source(%dma_start3A_133 : memref<100000xf32, #tpu.memory_space<hbm>>) target(%dma_start3A_128 : memref<128xf32, #tpu.memory_space<vmem>>) offsets(%dma_start3A_131 : memref<128xi32, #tpu.memory_space<vmem>>) semaphore(%arg10 : memref<!tpu.dma_semaphore, #tpu.memory_space<semaphore_mem>>)
    %dma_start3A_134 = arith.constant 1 : i32
    %dma_start3A_135 = arith.constant 3 : i32
    %dma_start3A_136 = arith.constant 128 : i32
    %dma_start3A_137 = tpu.memref_slice %arg9[%dma_start3A_135, %dma_start3A_136] : memref<4x512xf32, #tpu.memory_space<vmem>> -> memref<1x128xf32, #tpu.memory_space<vmem>>
    %dma_start3A_138 = tpu.memref_squeeze %dma_start3A_137 : memref<1x128xf32, #tpu.memory_space<vmem>> -> memref<128xf32, #tpu.memory_space<vmem>>
    %dma_start3A_139 = arith.constant 0 : i32
    %dma_start3A_140 = tpu.memref_slice %arg8[%dma_start3A_134, %dma_start3A_139] : memref<4x128xi32, #tpu.memory_space<vmem>> -> memref<1x128xi32, #tpu.memory_space<vmem>>
    %dma_start3A_141 = tpu.memref_squeeze %dma_start3A_140 : memref<1x128xi32, #tpu.memory_space<vmem>> -> memref<128xi32, #tpu.memory_space<vmem>>
    %dma_start3A_142 = arith.constant 0 : i32
    %dma_start3A_143 = tpu.memref_slice %arg6[%dma_start3A_142] : memref<100000xf32, #tpu.memory_space<hbm>> -> memref<100000xf32, #tpu.memory_space<hbm>>
    tpu.enqueue_indirect_dma source(%dma_start3A_143 : memref<100000xf32, #tpu.memory_space<hbm>>) target(%dma_start3A_138 : memref<128xf32, #tpu.memory_space<vmem>>) offsets(%dma_start3A_141 : memref<128xi32, #tpu.memory_space<vmem>>) semaphore(%arg10 : memref<!tpu.dma_semaphore, #tpu.memory_space<semaphore_mem>>)
    %dma_start3A_144 = arith.constant 2 : i32
    %dma_start3A_145 = arith.constant 3 : i32
    %dma_start3A_146 = arith.constant 256 : i32
    %dma_start3A_147 = tpu.memref_slice %arg9[%dma_start3A_145, %dma_start3A_146] : memref<4x512xf32, #tpu.memory_space<vmem>> -> memref<1x128xf32, #tpu.memory_space<vmem>>
    %dma_start3A_148 = tpu.memref_squeeze %dma_start3A_147 : memref<1x128xf32, #tpu.memory_space<vmem>> -> memref<128xf32, #tpu.memory_space<vmem>>
    %dma_start3A_149 = arith.constant 0 : i32
    %dma_start3A_150 = tpu.memref_slice %arg8[%dma_start3A_144, %dma_start3A_149] : memref<4x128xi32, #tpu.memory_space<vmem>> -> memref<1x128xi32, #tpu.memory_space<vmem>>
    %dma_start3A_151 = tpu.memref_squeeze %dma_start3A_150 : memref<1x128xi32, #tpu.memory_space<vmem>> -> memref<128xi32, #tpu.memory_space<vmem>>
    %dma_start3A_152 = arith.constant 0 : i32
    %dma_start3A_153 = tpu.memref_slice %arg6[%dma_start3A_152] : memref<100000xf32, #tpu.memory_space<hbm>> -> memref<100000xf32, #tpu.memory_space<hbm>>
    tpu.enqueue_indirect_dma source(%dma_start3A_153 : memref<100000xf32, #tpu.memory_space<hbm>>) target(%dma_start3A_148 : memref<128xf32, #tpu.memory_space<vmem>>) offsets(%dma_start3A_151 : memref<128xi32, #tpu.memory_space<vmem>>) semaphore(%arg10 : memref<!tpu.dma_semaphore, #tpu.memory_space<semaphore_mem>>)
    %dma_start3A_154 = arith.constant 3 : i32
    %dma_start3A_155 = arith.constant 3 : i32
    %dma_start3A_156 = arith.constant 384 : i32
    %dma_start3A_157 = tpu.memref_slice %arg9[%dma_start3A_155, %dma_start3A_156] : memref<4x512xf32, #tpu.memory_space<vmem>> -> memref<1x128xf32, #tpu.memory_space<vmem>>
    %dma_start3A_158 = tpu.memref_squeeze %dma_start3A_157 : memref<1x128xf32, #tpu.memory_space<vmem>> -> memref<128xf32, #tpu.memory_space<vmem>>
    %dma_start3A_159 = arith.constant 0 : i32
    %dma_start3A_160 = tpu.memref_slice %arg8[%dma_start3A_154, %dma_start3A_159] : memref<4x128xi32, #tpu.memory_space<vmem>> -> memref<1x128xi32, #tpu.memory_space<vmem>>
    %dma_start3A_161 = tpu.memref_squeeze %dma_start3A_160 : memref<1x128xi32, #tpu.memory_space<vmem>> -> memref<128xi32, #tpu.memory_space<vmem>>
    %dma_start3A_162 = arith.constant 0 : i32
    %dma_start3A_163 = tpu.memref_slice %arg6[%dma_start3A_162] : memref<100000xf32, #tpu.memory_space<hbm>> -> memref<100000xf32, #tpu.memory_space<hbm>>
    tpu.enqueue_indirect_dma source(%dma_start3A_163 : memref<100000xf32, #tpu.memory_space<hbm>>) target(%dma_start3A_158 : memref<128xf32, #tpu.memory_space<vmem>>) offsets(%dma_start3A_161 : memref<128xi32, #tpu.memory_space<vmem>>) semaphore(%arg10 : memref<!tpu.dma_semaphore, #tpu.memory_space<semaphore_mem>>)
    %dma_wait3A = arith.constant 0 : i32
    %dma_wait3A_164 = arith.constant 0 : i32
    %dma_wait3A_165 = arith.constant 0 : i32
    %dma_wait3A_166 = tpu.memref_slice %arg9[%dma_wait3A_164, %dma_wait3A_165] : memref<4x512xf32, #tpu.memory_space<vmem>> -> memref<1x128xf32, #tpu.memory_space<vmem>>
    %dma_wait3A_167 = tpu.memref_squeeze %dma_wait3A_166 : memref<1x128xf32, #tpu.memory_space<vmem>> -> memref<128xf32, #tpu.memory_space<vmem>>
    %dma_wait3A_168 = arith.constant 0 : i32
    %dma_wait3A_169 = tpu.memref_slice %arg8[%dma_wait3A, %dma_wait3A_168] : memref<4x128xi32, #tpu.memory_space<vmem>> -> memref<1x128xi32, #tpu.memory_space<vmem>>
    %dma_wait3A_170 = tpu.memref_squeeze %dma_wait3A_169 : memref<1x128xi32, #tpu.memory_space<vmem>> -> memref<128xi32, #tpu.memory_space<vmem>>
    %dma_wait3A_171 = arith.constant 0 : i32
    %dma_wait3A_172 = tpu.memref_slice %arg3[%dma_wait3A_171] : memref<100000xf32, #tpu.memory_space<hbm>> -> memref<100000xf32, #tpu.memory_space<hbm>>
    tpu.wait_indirect_dma semaphore(%arg10 : memref<!tpu.dma_semaphore, #tpu.memory_space<semaphore_mem>>) src(%dma_wait3A_172 : memref<100000xf32, #tpu.memory_space<hbm>>) dst(%dma_wait3A_167 : memref<128xf32, #tpu.memory_space<vmem>>)
    %dma_wait3A_173 = arith.constant 1 : i32
    %dma_wait3A_174 = arith.constant 0 : i32
    %dma_wait3A_175 = arith.constant 128 : i32
    %dma_wait3A_176 = tpu.memref_slice %arg9[%dma_wait3A_174, %dma_wait3A_175] : memref<4x512xf32, #tpu.memory_space<vmem>> -> memref<1x128xf32, #tpu.memory_space<vmem>>
    %dma_wait3A_177 = tpu.memref_squeeze %dma_wait3A_176 : memref<1x128xf32, #tpu.memory_space<vmem>> -> memref<128xf32, #tpu.memory_space<vmem>>
    %dma_wait3A_178 = arith.constant 0 : i32
    %dma_wait3A_179 = tpu.memref_slice %arg8[%dma_wait3A_173, %dma_wait3A_178] : memref<4x128xi32, #tpu.memory_space<vmem>> -> memref<1x128xi32, #tpu.memory_space<vmem>>
    %dma_wait3A_180 = tpu.memref_squeeze %dma_wait3A_179 : memref<1x128xi32, #tpu.memory_space<vmem>> -> memref<128xi32, #tpu.memory_space<vmem>>
    %dma_wait3A_181 = arith.constant 0 : i32
    %dma_wait3A_182 = tpu.memref_slice %arg3[%dma_wait3A_181] : memref<100000xf32, #tpu.memory_space<hbm>> -> memref<100000xf32, #tpu.memory_space<hbm>>
    tpu.wait_indirect_dma semaphore(%arg10 : memref<!tpu.dma_semaphore, #tpu.memory_space<semaphore_mem>>) src(%dma_wait3A_182 : memref<100000xf32, #tpu.memory_space<hbm>>) dst(%dma_wait3A_177 : memref<128xf32, #tpu.memory_space<vmem>>)
    %dma_wait3A_183 = arith.constant 2 : i32
    %dma_wait3A_184 = arith.constant 0 : i32
    %dma_wait3A_185 = arith.constant 256 : i32
    %dma_wait3A_186 = tpu.memref_slice %arg9[%dma_wait3A_184, %dma_wait3A_185] : memref<4x512xf32, #tpu.memory_space<vmem>> -> memref<1x128xf32, #tpu.memory_space<vmem>>
    %dma_wait3A_187 = tpu.memref_squeeze %dma_wait3A_186 : memref<1x128xf32, #tpu.memory_space<vmem>> -> memref<128xf32, #tpu.memory_space<vmem>>
    %dma_wait3A_188 = arith.constant 0 : i32
    %dma_wait3A_189 = tpu.memref_slice %arg8[%dma_wait3A_183, %dma_wait3A_188] : memref<4x128xi32, #tpu.memory_space<vmem>> -> memref<1x128xi32, #tpu.memory_space<vmem>>
    %dma_wait3A_190 = tpu.memref_squeeze %dma_wait3A_189 : memref<1x128xi32, #tpu.memory_space<vmem>> -> memref<128xi32, #tpu.memory_space<vmem>>
    %dma_wait3A_191 = arith.constant 0 : i32
    %dma_wait3A_192 = tpu.memref_slice %arg3[%dma_wait3A_191] : memref<100000xf32, #tpu.memory_space<hbm>> -> memref<100000xf32, #tpu.memory_space<hbm>>
    tpu.wait_indirect_dma semaphore(%arg10 : memref<!tpu.dma_semaphore, #tpu.memory_space<semaphore_mem>>) src(%dma_wait3A_192 : memref<100000xf32, #tpu.memory_space<hbm>>) dst(%dma_wait3A_187 : memref<128xf32, #tpu.memory_space<vmem>>)
    %dma_wait3A_193 = arith.constant 3 : i32
    %dma_wait3A_194 = arith.constant 0 : i32
    %dma_wait3A_195 = arith.constant 384 : i32
    %dma_wait3A_196 = tpu.memref_slice %arg9[%dma_wait3A_194, %dma_wait3A_195] : memref<4x512xf32, #tpu.memory_space<vmem>> -> memref<1x128xf32, #tpu.memory_space<vmem>>
    %dma_wait3A_197 = tpu.memref_squeeze %dma_wait3A_196 : memref<1x128xf32, #tpu.memory_space<vmem>> -> memref<128xf32, #tpu.memory_space<vmem>>
    %dma_wait3A_198 = arith.constant 0 : i32
    %dma_wait3A_199 = tpu.memref_slice %arg8[%dma_wait3A_193, %dma_wait3A_198] : memref<4x128xi32, #tpu.memory_space<vmem>> -> memref<1x128xi32, #tpu.memory_space<vmem>>
    %dma_wait3A_200 = tpu.memref_squeeze %dma_wait3A_199 : memref<1x128xi32, #tpu.memory_space<vmem>> -> memref<128xi32, #tpu.memory_space<vmem>>
    %dma_wait3A_201 = arith.constant 0 : i32
    %dma_wait3A_202 = tpu.memref_slice %arg3[%dma_wait3A_201] : memref<100000xf32, #tpu.memory_space<hbm>> -> memref<100000xf32, #tpu.memory_space<hbm>>
    tpu.wait_indirect_dma semaphore(%arg10 : memref<!tpu.dma_semaphore, #tpu.memory_space<semaphore_mem>>) src(%dma_wait3A_202 : memref<100000xf32, #tpu.memory_space<hbm>>) dst(%dma_wait3A_197 : memref<128xf32, #tpu.memory_space<vmem>>)
    %dma_wait3A_203 = arith.constant 0 : i32
    %dma_wait3A_204 = arith.constant 1 : i32
    %dma_wait3A_205 = arith.constant 0 : i32
    %dma_wait3A_206 = tpu.memref_slice %arg9[%dma_wait3A_204, %dma_wait3A_205] : memref<4x512xf32, #tpu.memory_space<vmem>> -> memref<1x128xf32, #tpu.memory_space<vmem>>
    %dma_wait3A_207 = tpu.memref_squeeze %dma_wait3A_206 : memref<1x128xf32, #tpu.memory_space<vmem>> -> memref<128xf32, #tpu.memory_space<vmem>>
    %dma_wait3A_208 = arith.constant 0 : i32
    %dma_wait3A_209 = tpu.memref_slice %arg8[%dma_wait3A_203, %dma_wait3A_208] : memref<4x128xi32, #tpu.memory_space<vmem>> -> memref<1x128xi32, #tpu.memory_space<vmem>>
    %dma_wait3A_210 = tpu.memref_squeeze %dma_wait3A_209 : memref<1x128xi32, #tpu.memory_space<vmem>> -> memref<128xi32, #tpu.memory_space<vmem>>
    %dma_wait3A_211 = arith.constant 0 : i32
    %dma_wait3A_212 = tpu.memref_slice %arg4[%dma_wait3A_211] : memref<100000xf32, #tpu.memory_space<hbm>> -> memref<100000xf32, #tpu.memory_space<hbm>>
    tpu.wait_indirect_dma semaphore(%arg10 : memref<!tpu.dma_semaphore, #tpu.memory_space<semaphore_mem>>) src(%dma_wait3A_212 : memref<100000xf32, #tpu.memory_space<hbm>>) dst(%dma_wait3A_207 : memref<128xf32, #tpu.memory_space<vmem>>)
    %dma_wait3A_213 = arith.constant 1 : i32
    %dma_wait3A_214 = arith.constant 1 : i32
    %dma_wait3A_215 = arith.constant 128 : i32
    %dma_wait3A_216 = tpu.memref_slice %arg9[%dma_wait3A_214, %dma_wait3A_215] : memref<4x512xf32, #tpu.memory_space<vmem>> -> memref<1x128xf32, #tpu.memory_space<vmem>>
    %dma_wait3A_217 = tpu.memref_squeeze %dma_wait3A_216 : memref<1x128xf32, #tpu.memory_space<vmem>> -> memref<128xf32, #tpu.memory_space<vmem>>
    %dma_wait3A_218 = arith.constant 0 : i32
    %dma_wait3A_219 = tpu.memref_slice %arg8[%dma_wait3A_213, %dma_wait3A_218] : memref<4x128xi32, #tpu.memory_space<vmem>> -> memref<1x128xi32, #tpu.memory_space<vmem>>
    %dma_wait3A_220 = tpu.memref_squeeze %dma_wait3A_219 : memref<1x128xi32, #tpu.memory_space<vmem>> -> memref<128xi32, #tpu.memory_space<vmem>>
    %dma_wait3A_221 = arith.constant 0 : i32
    %dma_wait3A_222 = tpu.memref_slice %arg4[%dma_wait3A_221] : memref<100000xf32, #tpu.memory_space<hbm>> -> memref<100000xf32, #tpu.memory_space<hbm>>
    tpu.wait_indirect_dma semaphore(%arg10 : memref<!tpu.dma_semaphore, #tpu.memory_space<semaphore_mem>>) src(%dma_wait3A_222 : memref<100000xf32, #tpu.memory_space<hbm>>) dst(%dma_wait3A_217 : memref<128xf32, #tpu.memory_space<vmem>>)
    %dma_wait3A_223 = arith.constant 2 : i32
    %dma_wait3A_224 = arith.constant 1 : i32
    %dma_wait3A_225 = arith.constant 256 : i32
    %dma_wait3A_226 = tpu.memref_slice %arg9[%dma_wait3A_224, %dma_wait3A_225] : memref<4x512xf32, #tpu.memory_space<vmem>> -> memref<1x128xf32, #tpu.memory_space<vmem>>
    %dma_wait3A_227 = tpu.memref_squeeze %dma_wait3A_226 : memref<1x128xf32, #tpu.memory_space<vmem>> -> memref<128xf32, #tpu.memory_space<vmem>>
    %dma_wait3A_228 = arith.constant 0 : i32
    %dma_wait3A_229 = tpu.memref_slice %arg8[%dma_wait3A_223, %dma_wait3A_228] : memref<4x128xi32, #tpu.memory_space<vmem>> -> memref<1x128xi32, #tpu.memory_space<vmem>>
    %dma_wait3A_230 = tpu.memref_squeeze %dma_wait3A_229 : memref<1x128xi32, #tpu.memory_space<vmem>> -> memref<128xi32, #tpu.memory_space<vmem>>
    %dma_wait3A_231 = arith.constant 0 : i32
    %dma_wait3A_232 = tpu.memref_slice %arg4[%dma_wait3A_231] : memref<100000xf32, #tpu.memory_space<hbm>> -> memref<100000xf32, #tpu.memory_space<hbm>>
    tpu.wait_indirect_dma semaphore(%arg10 : memref<!tpu.dma_semaphore, #tpu.memory_space<semaphore_mem>>) src(%dma_wait3A_232 : memref<100000xf32, #tpu.memory_space<hbm>>) dst(%dma_wait3A_227 : memref<128xf32, #tpu.memory_space<vmem>>)
    %dma_wait3A_233 = arith.constant 3 : i32
    %dma_wait3A_234 = arith.constant 1 : i32
    %dma_wait3A_235 = arith.constant 384 : i32
    %dma_wait3A_236 = tpu.memref_slice %arg9[%dma_wait3A_234, %dma_wait3A_235] : memref<4x512xf32, #tpu.memory_space<vmem>> -> memref<1x128xf32, #tpu.memory_space<vmem>>
    %dma_wait3A_237 = tpu.memref_squeeze %dma_wait3A_236 : memref<1x128xf32, #tpu.memory_space<vmem>> -> memref<128xf32, #tpu.memory_space<vmem>>
    %dma_wait3A_238 = arith.constant 0 : i32
    %dma_wait3A_239 = tpu.memref_slice %arg8[%dma_wait3A_233, %dma_wait3A_238] : memref<4x128xi32, #tpu.memory_space<vmem>> -> memref<1x128xi32, #tpu.memory_space<vmem>>
    %dma_wait3A_240 = tpu.memref_squeeze %dma_wait3A_239 : memref<1x128xi32, #tpu.memory_space<vmem>> -> memref<128xi32, #tpu.memory_space<vmem>>
    %dma_wait3A_241 = arith.constant 0 : i32
    %dma_wait3A_242 = tpu.memref_slice %arg4[%dma_wait3A_241] : memref<100000xf32, #tpu.memory_space<hbm>> -> memref<100000xf32, #tpu.memory_space<hbm>>
    tpu.wait_indirect_dma semaphore(%arg10 : memref<!tpu.dma_semaphore, #tpu.memory_space<semaphore_mem>>) src(%dma_wait3A_242 : memref<100000xf32, #tpu.memory_space<hbm>>) dst(%dma_wait3A_237 : memref<128xf32, #tpu.memory_space<vmem>>)
    %dma_wait3A_243 = arith.constant 0 : i32
    %dma_wait3A_244 = arith.constant 2 : i32
    %dma_wait3A_245 = arith.constant 0 : i32
    %dma_wait3A_246 = tpu.memref_slice %arg9[%dma_wait3A_244, %dma_wait3A_245] : memref<4x512xf32, #tpu.memory_space<vmem>> -> memref<1x128xf32, #tpu.memory_space<vmem>>
    %dma_wait3A_247 = tpu.memref_squeeze %dma_wait3A_246 : memref<1x128xf32, #tpu.memory_space<vmem>> -> memref<128xf32, #tpu.memory_space<vmem>>
    %dma_wait3A_248 = arith.constant 0 : i32
    %dma_wait3A_249 = tpu.memref_slice %arg8[%dma_wait3A_243, %dma_wait3A_248] : memref<4x128xi32, #tpu.memory_space<vmem>> -> memref<1x128xi32, #tpu.memory_space<vmem>>
    %dma_wait3A_250 = tpu.memref_squeeze %dma_wait3A_249 : memref<1x128xi32, #tpu.memory_space<vmem>> -> memref<128xi32, #tpu.memory_space<vmem>>
    %dma_wait3A_251 = arith.constant 0 : i32
    %dma_wait3A_252 = tpu.memref_slice %arg5[%dma_wait3A_251] : memref<100000xf32, #tpu.memory_space<hbm>> -> memref<100000xf32, #tpu.memory_space<hbm>>
    tpu.wait_indirect_dma semaphore(%arg10 : memref<!tpu.dma_semaphore, #tpu.memory_space<semaphore_mem>>) src(%dma_wait3A_252 : memref<100000xf32, #tpu.memory_space<hbm>>) dst(%dma_wait3A_247 : memref<128xf32, #tpu.memory_space<vmem>>)
    %dma_wait3A_253 = arith.constant 1 : i32
    %dma_wait3A_254 = arith.constant 2 : i32
    %dma_wait3A_255 = arith.constant 128 : i32
    %dma_wait3A_256 = tpu.memref_slice %arg9[%dma_wait3A_254, %dma_wait3A_255] : memref<4x512xf32, #tpu.memory_space<vmem>> -> memref<1x128xf32, #tpu.memory_space<vmem>>
    %dma_wait3A_257 = tpu.memref_squeeze %dma_wait3A_256 : memref<1x128xf32, #tpu.memory_space<vmem>> -> memref<128xf32, #tpu.memory_space<vmem>>
    %dma_wait3A_258 = arith.constant 0 : i32
    %dma_wait3A_259 = tpu.memref_slice %arg8[%dma_wait3A_253, %dma_wait3A_258] : memref<4x128xi32, #tpu.memory_space<vmem>> -> memref<1x128xi32, #tpu.memory_space<vmem>>
    %dma_wait3A_260 = tpu.memref_squeeze %dma_wait3A_259 : memref<1x128xi32, #tpu.memory_space<vmem>> -> memref<128xi32, #tpu.memory_space<vmem>>
    %dma_wait3A_261 = arith.constant 0 : i32
    %dma_wait3A_262 = tpu.memref_slice %arg5[%dma_wait3A_261] : memref<100000xf32, #tpu.memory_space<hbm>> -> memref<100000xf32, #tpu.memory_space<hbm>>
    tpu.wait_indirect_dma semaphore(%arg10 : memref<!tpu.dma_semaphore, #tpu.memory_space<semaphore_mem>>) src(%dma_wait3A_262 : memref<100000xf32, #tpu.memory_space<hbm>>) dst(%dma_wait3A_257 : memref<128xf32, #tpu.memory_space<vmem>>)
    %dma_wait3A_263 = arith.constant 2 : i32
    %dma_wait3A_264 = arith.constant 2 : i32
    %dma_wait3A_265 = arith.constant 256 : i32
    %dma_wait3A_266 = tpu.memref_slice %arg9[%dma_wait3A_264, %dma_wait3A_265] : memref<4x512xf32, #tpu.memory_space<vmem>> -> memref<1x128xf32, #tpu.memory_space<vmem>>
    %dma_wait3A_267 = tpu.memref_squeeze %dma_wait3A_266 : memref<1x128xf32, #tpu.memory_space<vmem>> -> memref<128xf32, #tpu.memory_space<vmem>>
    %dma_wait3A_268 = arith.constant 0 : i32
    %dma_wait3A_269 = tpu.memref_slice %arg8[%dma_wait3A_263, %dma_wait3A_268] : memref<4x128xi32, #tpu.memory_space<vmem>> -> memref<1x128xi32, #tpu.memory_space<vmem>>
    %dma_wait3A_270 = tpu.memref_squeeze %dma_wait3A_269 : memref<1x128xi32, #tpu.memory_space<vmem>> -> memref<128xi32, #tpu.memory_space<vmem>>
    %dma_wait3A_271 = arith.constant 0 : i32
    %dma_wait3A_272 = tpu.memref_slice %arg5[%dma_wait3A_271] : memref<100000xf32, #tpu.memory_space<hbm>> -> memref<100000xf32, #tpu.memory_space<hbm>>
    tpu.wait_indirect_dma semaphore(%arg10 : memref<!tpu.dma_semaphore, #tpu.memory_space<semaphore_mem>>) src(%dma_wait3A_272 : memref<100000xf32, #tpu.memory_space<hbm>>) dst(%dma_wait3A_267 : memref<128xf32, #tpu.memory_space<vmem>>)
    %dma_wait3A_273 = arith.constant 3 : i32
    %dma_wait3A_274 = arith.constant 2 : i32
    %dma_wait3A_275 = arith.constant 384 : i32
    %dma_wait3A_276 = tpu.memref_slice %arg9[%dma_wait3A_274, %dma_wait3A_275] : memref<4x512xf32, #tpu.memory_space<vmem>> -> memref<1x128xf32, #tpu.memory_space<vmem>>
    %dma_wait3A_277 = tpu.memref_squeeze %dma_wait3A_276 : memref<1x128xf32, #tpu.memory_space<vmem>> -> memref<128xf32, #tpu.memory_space<vmem>>
    %dma_wait3A_278 = arith.constant 0 : i32
    %dma_wait3A_279 = tpu.memref_slice %arg8[%dma_wait3A_273, %dma_wait3A_278] : memref<4x128xi32, #tpu.memory_space<vmem>> -> memref<1x128xi32, #tpu.memory_space<vmem>>
    %dma_wait3A_280 = tpu.memref_squeeze %dma_wait3A_279 : memref<1x128xi32, #tpu.memory_space<vmem>> -> memref<128xi32, #tpu.memory_space<vmem>>
    %dma_wait3A_281 = arith.constant 0 : i32
    %dma_wait3A_282 = tpu.memref_slice %arg5[%dma_wait3A_281] : memref<100000xf32, #tpu.memory_space<hbm>> -> memref<100000xf32, #tpu.memory_space<hbm>>
    tpu.wait_indirect_dma semaphore(%arg10 : memref<!tpu.dma_semaphore, #tpu.memory_space<semaphore_mem>>) src(%dma_wait3A_282 : memref<100000xf32, #tpu.memory_space<hbm>>) dst(%dma_wait3A_277 : memref<128xf32, #tpu.memory_space<vmem>>)
    %dma_wait3A_283 = arith.constant 0 : i32
    %dma_wait3A_284 = arith.constant 3 : i32
    %dma_wait3A_285 = arith.constant 0 : i32
    %dma_wait3A_286 = tpu.memref_slice %arg9[%dma_wait3A_284, %dma_wait3A_285] : memref<4x512xf32, #tpu.memory_space<vmem>> -> memref<1x128xf32, #tpu.memory_space<vmem>>
    %dma_wait3A_287 = tpu.memref_squeeze %dma_wait3A_286 : memref<1x128xf32, #tpu.memory_space<vmem>> -> memref<128xf32, #tpu.memory_space<vmem>>
    %dma_wait3A_288 = arith.constant 0 : i32
    %dma_wait3A_289 = tpu.memref_slice %arg8[%dma_wait3A_283, %dma_wait3A_288] : memref<4x128xi32, #tpu.memory_space<vmem>> -> memref<1x128xi32, #tpu.memory_space<vmem>>
    %dma_wait3A_290 = tpu.memref_squeeze %dma_wait3A_289 : memref<1x128xi32, #tpu.memory_space<vmem>> -> memref<128xi32, #tpu.memory_space<vmem>>
    %dma_wait3A_291 = arith.constant 0 : i32
    %dma_wait3A_292 = tpu.memref_slice %arg6[%dma_wait3A_291] : memref<100000xf32, #tpu.memory_space<hbm>> -> memref<100000xf32, #tpu.memory_space<hbm>>
    tpu.wait_indirect_dma semaphore(%arg10 : memref<!tpu.dma_semaphore, #tpu.memory_space<semaphore_mem>>) src(%dma_wait3A_292 : memref<100000xf32, #tpu.memory_space<hbm>>) dst(%dma_wait3A_287 : memref<128xf32, #tpu.memory_space<vmem>>)
    %dma_wait3A_293 = arith.constant 1 : i32
    %dma_wait3A_294 = arith.constant 3 : i32
    %dma_wait3A_295 = arith.constant 128 : i32
    %dma_wait3A_296 = tpu.memref_slice %arg9[%dma_wait3A_294, %dma_wait3A_295] : memref<4x512xf32, #tpu.memory_space<vmem>> -> memref<1x128xf32, #tpu.memory_space<vmem>>
    %dma_wait3A_297 = tpu.memref_squeeze %dma_wait3A_296 : memref<1x128xf32, #tpu.memory_space<vmem>> -> memref<128xf32, #tpu.memory_space<vmem>>
    %dma_wait3A_298 = arith.constant 0 : i32
    %dma_wait3A_299 = tpu.memref_slice %arg8[%dma_wait3A_293, %dma_wait3A_298] : memref<4x128xi32, #tpu.memory_space<vmem>> -> memref<1x128xi32, #tpu.memory_space<vmem>>
    %dma_wait3A_300 = tpu.memref_squeeze %dma_wait3A_299 : memref<1x128xi32, #tpu.memory_space<vmem>> -> memref<128xi32, #tpu.memory_space<vmem>>
    %dma_wait3A_301 = arith.constant 0 : i32
    %dma_wait3A_302 = tpu.memref_slice %arg6[%dma_wait3A_301] : memref<100000xf32, #tpu.memory_space<hbm>> -> memref<100000xf32, #tpu.memory_space<hbm>>
    tpu.wait_indirect_dma semaphore(%arg10 : memref<!tpu.dma_semaphore, #tpu.memory_space<semaphore_mem>>) src(%dma_wait3A_302 : memref<100000xf32, #tpu.memory_space<hbm>>) dst(%dma_wait3A_297 : memref<128xf32, #tpu.memory_space<vmem>>)
    %dma_wait3A_303 = arith.constant 2 : i32
    %dma_wait3A_304 = arith.constant 3 : i32
    %dma_wait3A_305 = arith.constant 256 : i32
    %dma_wait3A_306 = tpu.memref_slice %arg9[%dma_wait3A_304, %dma_wait3A_305] : memref<4x512xf32, #tpu.memory_space<vmem>> -> memref<1x128xf32, #tpu.memory_space<vmem>>
    %dma_wait3A_307 = tpu.memref_squeeze %dma_wait3A_306 : memref<1x128xf32, #tpu.memory_space<vmem>> -> memref<128xf32, #tpu.memory_space<vmem>>
    %dma_wait3A_308 = arith.constant 0 : i32
    %dma_wait3A_309 = tpu.memref_slice %arg8[%dma_wait3A_303, %dma_wait3A_308] : memref<4x128xi32, #tpu.memory_space<vmem>> -> memref<1x128xi32, #tpu.memory_space<vmem>>
    %dma_wait3A_310 = tpu.memref_squeeze %dma_wait3A_309 : memref<1x128xi32, #tpu.memory_space<vmem>> -> memref<128xi32, #tpu.memory_space<vmem>>
    %dma_wait3A_311 = arith.constant 0 : i32
    %dma_wait3A_312 = tpu.memref_slice %arg6[%dma_wait3A_311] : memref<100000xf32, #tpu.memory_space<hbm>> -> memref<100000xf32, #tpu.memory_space<hbm>>
    tpu.wait_indirect_dma semaphore(%arg10 : memref<!tpu.dma_semaphore, #tpu.memory_space<semaphore_mem>>) src(%dma_wait3A_312 : memref<100000xf32, #tpu.memory_space<hbm>>) dst(%dma_wait3A_307 : memref<128xf32, #tpu.memory_space<vmem>>)
    %dma_wait3A_313 = arith.constant 3 : i32
    %dma_wait3A_314 = arith.constant 3 : i32
    %dma_wait3A_315 = arith.constant 384 : i32
    %dma_wait3A_316 = tpu.memref_slice %arg9[%dma_wait3A_314, %dma_wait3A_315] : memref<4x512xf32, #tpu.memory_space<vmem>> -> memref<1x128xf32, #tpu.memory_space<vmem>>
    %dma_wait3A_317 = tpu.memref_squeeze %dma_wait3A_316 : memref<1x128xf32, #tpu.memory_space<vmem>> -> memref<128xf32, #tpu.memory_space<vmem>>
    %dma_wait3A_318 = arith.constant 0 : i32
    %dma_wait3A_319 = tpu.memref_slice %arg8[%dma_wait3A_313, %dma_wait3A_318] : memref<4x128xi32, #tpu.memory_space<vmem>> -> memref<1x128xi32, #tpu.memory_space<vmem>>
    %dma_wait3A_320 = tpu.memref_squeeze %dma_wait3A_319 : memref<1x128xi32, #tpu.memory_space<vmem>> -> memref<128xi32, #tpu.memory_space<vmem>>
    %dma_wait3A_321 = arith.constant 0 : i32
    %dma_wait3A_322 = tpu.memref_slice %arg6[%dma_wait3A_321] : memref<100000xf32, #tpu.memory_space<hbm>> -> memref<100000xf32, #tpu.memory_space<hbm>>
    tpu.wait_indirect_dma semaphore(%arg10 : memref<!tpu.dma_semaphore, #tpu.memory_space<semaphore_mem>>) src(%dma_wait3A_322 : memref<100000xf32, #tpu.memory_space<hbm>>) dst(%dma_wait3A_317 : memref<128xf32, #tpu.memory_space<vmem>>)
    %run_scoped3A = arith.constant 0 : i32
    %run_scoped3A_323 = arith.constant 0 : i32
    "tpu.region"() ({
      %run_scoped3A_330 = tpu.sem_alloc : memref<!tpu.dma_semaphore, #tpu.memory_space<semaphore_mem>>
      %dma_start3A_331 = arith.constant 0 : i32
      %dma_start3A_332 = tpu.memref_slice %arg9[%run_scoped3A, %dma_start3A_331] : memref<4x512xf32, #tpu.memory_space<vmem>> -> memref<1x512xf32, #tpu.memory_space<vmem>>
      %dma_start3A_333 = tpu.memref_squeeze %dma_start3A_332 : memref<1x512xf32, #tpu.memory_space<vmem>> -> memref<512xf32, #tpu.memory_space<vmem>>
      %dma_start3A_334 = tpu.memref_slice %arg7[%run_scoped3A_323, %mul3A_2] : memref<4x16384xf32, #tpu.memory_space<hbm>> -> memref<1x512xf32, #tpu.memory_space<hbm>>
      %dma_start3A_335 = tpu.memref_squeeze %dma_start3A_334 : memref<1x512xf32, #tpu.memory_space<hbm>> -> memref<512xf32, #tpu.memory_space<hbm>>
      %dma_start3A_336 = tpu.memref_slice %arg7[%run_scoped3A_323, %mul3A_2] : memref<4x16384xf32, #tpu.memory_space<hbm>> -> memref<1x512xf32, #tpu.memory_space<hbm>>
      %dma_start3A_337 = tpu.memref_squeeze %dma_start3A_336 : memref<1x512xf32, #tpu.memory_space<hbm>> -> memref<512xf32, #tpu.memory_space<hbm>>
      %dma_start3A_338 = arith.constant 0 : i32
      %dma_start3A_339 = tpu.memref_slice %arg9[%run_scoped3A, %dma_start3A_338] : memref<4x512xf32, #tpu.memory_space<vmem>> -> memref<1x512xf32, #tpu.memory_space<vmem>>
      %dma_start3A_340 = tpu.memref_squeeze %dma_start3A_339 : memref<1x512xf32, #tpu.memory_space<vmem>> -> memref<512xf32, #tpu.memory_space<vmem>>
      tpu.enqueue_dma source(%dma_start3A_340 : memref<512xf32, #tpu.memory_space<vmem>>) target(%dma_start3A_337 : memref<512xf32, #tpu.memory_space<hbm>>) target_semaphore(%run_scoped3A_330 : memref<!tpu.dma_semaphore, #tpu.memory_space<semaphore_mem>>)
      %dma_wait3A_341 = arith.constant 0 : i32
      %dma_wait3A_342 = tpu.memref_slice %arg9[%run_scoped3A, %dma_wait3A_341] : memref<4x512xf32, #tpu.memory_space<vmem>> -> memref<1x512xf32, #tpu.memory_space<vmem>>
      %dma_wait3A_343 = tpu.memref_squeeze %dma_wait3A_342 : memref<1x512xf32, #tpu.memory_space<vmem>> -> memref<512xf32, #tpu.memory_space<vmem>>
      %dma_wait3A_344 = tpu.memref_slice %arg7[%run_scoped3A_323, %mul3A_2] : memref<4x16384xf32, #tpu.memory_space<hbm>> -> memref<1x512xf32, #tpu.memory_space<hbm>>
      %dma_wait3A_345 = tpu.memref_squeeze %dma_wait3A_344 : memref<1x512xf32, #tpu.memory_space<hbm>> -> memref<512xf32, #tpu.memory_space<hbm>>
      %dma_wait3A_346 = tpu.memref_slice %arg7[%run_scoped3A_323, %mul3A_2] : memref<4x16384xf32, #tpu.memory_space<hbm>> -> memref<1x512xf32, #tpu.memory_space<hbm>>
      %dma_wait3A_347 = tpu.memref_squeeze %dma_wait3A_346 : memref<1x512xf32, #tpu.memory_space<hbm>> -> memref<512xf32, #tpu.memory_space<hbm>>
      %dma_wait3A_348 = arith.constant 0 : i32
      %dma_wait3A_349 = tpu.memref_slice %arg9[%run_scoped3A, %dma_wait3A_348] : memref<4x512xf32, #tpu.memory_space<vmem>> -> memref<1x512xf32, #tpu.memory_space<vmem>>
      %dma_wait3A_350 = tpu.memref_squeeze %dma_wait3A_349 : memref<1x512xf32, #tpu.memory_space<vmem>> -> memref<512xf32, #tpu.memory_space<vmem>>
      tpu.wait_dma2 semaphore(%run_scoped3A_330 : memref<!tpu.dma_semaphore, #tpu.memory_space<semaphore_mem>>) src(%dma_wait3A_350 : memref<512xf32, #tpu.memory_space<vmem>>) dst(%dma_wait3A_347 : memref<512xf32, #tpu.memory_space<hbm>>)
      tpu.yield
    }) : () -> ()
    %run_scoped3A_324 = arith.constant 1 : i32
    %run_scoped3A_325 = arith.constant 1 : i32
    "tpu.region"() ({
      %run_scoped3A_330 = tpu.sem_alloc : memref<!tpu.dma_semaphore, #tpu.memory_space<semaphore_mem>>
      %dma_start3A_331 = arith.constant 0 : i32
      %dma_start3A_332 = tpu.memref_slice %arg9[%run_scoped3A_324, %dma_start3A_331] : memref<4x512xf32, #tpu.memory_space<vmem>> -> memref<1x512xf32, #tpu.memory_space<vmem>>
      %dma_start3A_333 = tpu.memref_squeeze %dma_start3A_332 : memref<1x512xf32, #tpu.memory_space<vmem>> -> memref<512xf32, #tpu.memory_space<vmem>>
      %dma_start3A_334 = tpu.memref_slice %arg7[%run_scoped3A_325, %mul3A_2] : memref<4x16384xf32, #tpu.memory_space<hbm>> -> memref<1x512xf32, #tpu.memory_space<hbm>>
      %dma_start3A_335 = tpu.memref_squeeze %dma_start3A_334 : memref<1x512xf32, #tpu.memory_space<hbm>> -> memref<512xf32, #tpu.memory_space<hbm>>
      %dma_start3A_336 = tpu.memref_slice %arg7[%run_scoped3A_325, %mul3A_2] : memref<4x16384xf32, #tpu.memory_space<hbm>> -> memref<1x512xf32, #tpu.memory_space<hbm>>
      %dma_start3A_337 = tpu.memref_squeeze %dma_start3A_336 : memref<1x512xf32, #tpu.memory_space<hbm>> -> memref<512xf32, #tpu.memory_space<hbm>>
      %dma_start3A_338 = arith.constant 0 : i32
      %dma_start3A_339 = tpu.memref_slice %arg9[%run_scoped3A_324, %dma_start3A_338] : memref<4x512xf32, #tpu.memory_space<vmem>> -> memref<1x512xf32, #tpu.memory_space<vmem>>
      %dma_start3A_340 = tpu.memref_squeeze %dma_start3A_339 : memref<1x512xf32, #tpu.memory_space<vmem>> -> memref<512xf32, #tpu.memory_space<vmem>>
      tpu.enqueue_dma source(%dma_start3A_340 : memref<512xf32, #tpu.memory_space<vmem>>) target(%dma_start3A_337 : memref<512xf32, #tpu.memory_space<hbm>>) target_semaphore(%run_scoped3A_330 : memref<!tpu.dma_semaphore, #tpu.memory_space<semaphore_mem>>)
      %dma_wait3A_341 = arith.constant 0 : i32
      %dma_wait3A_342 = tpu.memref_slice %arg9[%run_scoped3A_324, %dma_wait3A_341] : memref<4x512xf32, #tpu.memory_space<vmem>> -> memref<1x512xf32, #tpu.memory_space<vmem>>
      %dma_wait3A_343 = tpu.memref_squeeze %dma_wait3A_342 : memref<1x512xf32, #tpu.memory_space<vmem>> -> memref<512xf32, #tpu.memory_space<vmem>>
      %dma_wait3A_344 = tpu.memref_slice %arg7[%run_scoped3A_325, %mul3A_2] : memref<4x16384xf32, #tpu.memory_space<hbm>> -> memref<1x512xf32, #tpu.memory_space<hbm>>
      %dma_wait3A_345 = tpu.memref_squeeze %dma_wait3A_344 : memref<1x512xf32, #tpu.memory_space<hbm>> -> memref<512xf32, #tpu.memory_space<hbm>>
      %dma_wait3A_346 = tpu.memref_slice %arg7[%run_scoped3A_325, %mul3A_2] : memref<4x16384xf32, #tpu.memory_space<hbm>> -> memref<1x512xf32, #tpu.memory_space<hbm>>
      %dma_wait3A_347 = tpu.memref_squeeze %dma_wait3A_346 : memref<1x512xf32, #tpu.memory_space<hbm>> -> memref<512xf32, #tpu.memory_space<hbm>>
      %dma_wait3A_348 = arith.constant 0 : i32
      %dma_wait3A_349 = tpu.memref_slice %arg9[%run_scoped3A_324, %dma_wait3A_348] : memref<4x512xf32, #tpu.memory_space<vmem>> -> memref<1x512xf32, #tpu.memory_space<vmem>>
      %dma_wait3A_350 = tpu.memref_squeeze %dma_wait3A_349 : memref<1x512xf32, #tpu.memory_space<vmem>> -> memref<512xf32, #tpu.memory_space<vmem>>
      tpu.wait_dma2 semaphore(%run_scoped3A_330 : memref<!tpu.dma_semaphore, #tpu.memory_space<semaphore_mem>>) src(%dma_wait3A_350 : memref<512xf32, #tpu.memory_space<vmem>>) dst(%dma_wait3A_347 : memref<512xf32, #tpu.memory_space<hbm>>)
      tpu.yield
    }) : () -> ()
    %run_scoped3A_326 = arith.constant 2 : i32
    %run_scoped3A_327 = arith.constant 2 : i32
    "tpu.region"() ({
      %run_scoped3A_330 = tpu.sem_alloc : memref<!tpu.dma_semaphore, #tpu.memory_space<semaphore_mem>>
      %dma_start3A_331 = arith.constant 0 : i32
      %dma_start3A_332 = tpu.memref_slice %arg9[%run_scoped3A_326, %dma_start3A_331] : memref<4x512xf32, #tpu.memory_space<vmem>> -> memref<1x512xf32, #tpu.memory_space<vmem>>
      %dma_start3A_333 = tpu.memref_squeeze %dma_start3A_332 : memref<1x512xf32, #tpu.memory_space<vmem>> -> memref<512xf32, #tpu.memory_space<vmem>>
      %dma_start3A_334 = tpu.memref_slice %arg7[%run_scoped3A_327, %mul3A_2] : memref<4x16384xf32, #tpu.memory_space<hbm>> -> memref<1x512xf32, #tpu.memory_space<hbm>>
      %dma_start3A_335 = tpu.memref_squeeze %dma_start3A_334 : memref<1x512xf32, #tpu.memory_space<hbm>> -> memref<512xf32, #tpu.memory_space<hbm>>
      %dma_start3A_336 = tpu.memref_slice %arg7[%run_scoped3A_327, %mul3A_2] : memref<4x16384xf32, #tpu.memory_space<hbm>> -> memref<1x512xf32, #tpu.memory_space<hbm>>
      %dma_start3A_337 = tpu.memref_squeeze %dma_start3A_336 : memref<1x512xf32, #tpu.memory_space<hbm>> -> memref<512xf32, #tpu.memory_space<hbm>>
      %dma_start3A_338 = arith.constant 0 : i32
      %dma_start3A_339 = tpu.memref_slice %arg9[%run_scoped3A_326, %dma_start3A_338] : memref<4x512xf32, #tpu.memory_space<vmem>> -> memref<1x512xf32, #tpu.memory_space<vmem>>
      %dma_start3A_340 = tpu.memref_squeeze %dma_start3A_339 : memref<1x512xf32, #tpu.memory_space<vmem>> -> memref<512xf32, #tpu.memory_space<vmem>>
      tpu.enqueue_dma source(%dma_start3A_340 : memref<512xf32, #tpu.memory_space<vmem>>) target(%dma_start3A_337 : memref<512xf32, #tpu.memory_space<hbm>>) target_semaphore(%run_scoped3A_330 : memref<!tpu.dma_semaphore, #tpu.memory_space<semaphore_mem>>)
      %dma_wait3A_341 = arith.constant 0 : i32
      %dma_wait3A_342 = tpu.memref_slice %arg9[%run_scoped3A_326, %dma_wait3A_341] : memref<4x512xf32, #tpu.memory_space<vmem>> -> memref<1x512xf32, #tpu.memory_space<vmem>>
      %dma_wait3A_343 = tpu.memref_squeeze %dma_wait3A_342 : memref<1x512xf32, #tpu.memory_space<vmem>> -> memref<512xf32, #tpu.memory_space<vmem>>
      %dma_wait3A_344 = tpu.memref_slice %arg7[%run_scoped3A_327, %mul3A_2] : memref<4x16384xf32, #tpu.memory_space<hbm>> -> memref<1x512xf32, #tpu.memory_space<hbm>>
      %dma_wait3A_345 = tpu.memref_squeeze %dma_wait3A_344 : memref<1x512xf32, #tpu.memory_space<hbm>> -> memref<512xf32, #tpu.memory_space<hbm>>
      %dma_wait3A_346 = tpu.memref_slice %arg7[%run_scoped3A_327, %mul3A_2] : memref<4x16384xf32, #tpu.memory_space<hbm>> -> memref<1x512xf32, #tpu.memory_space<hbm>>
      %dma_wait3A_347 = tpu.memref_squeeze %dma_wait3A_346 : memref<1x512xf32, #tpu.memory_space<hbm>> -> memref<512xf32, #tpu.memory_space<hbm>>
      %dma_wait3A_348 = arith.constant 0 : i32
      %dma_wait3A_349 = tpu.memref_slice %arg9[%run_scoped3A_326, %dma_wait3A_348] : memref<4x512xf32, #tpu.memory_space<vmem>> -> memref<1x512xf32, #tpu.memory_space<vmem>>
      %dma_wait3A_350 = tpu.memref_squeeze %dma_wait3A_349 : memref<1x512xf32, #tpu.memory_space<vmem>> -> memref<512xf32, #tpu.memory_space<vmem>>
      tpu.wait_dma2 semaphore(%run_scoped3A_330 : memref<!tpu.dma_semaphore, #tpu.memory_space<semaphore_mem>>) src(%dma_wait3A_350 : memref<512xf32, #tpu.memory_space<vmem>>) dst(%dma_wait3A_347 : memref<512xf32, #tpu.memory_space<hbm>>)
      tpu.yield
    }) : () -> ()
    %run_scoped3A_328 = arith.constant 3 : i32
    %run_scoped3A_329 = arith.constant 3 : i32
    "tpu.region"() ({
      %run_scoped3A_330 = tpu.sem_alloc : memref<!tpu.dma_semaphore, #tpu.memory_space<semaphore_mem>>
      %dma_start3A_331 = arith.constant 0 : i32
      %dma_start3A_332 = tpu.memref_slice %arg9[%run_scoped3A_328, %dma_start3A_331] : memref<4x512xf32, #tpu.memory_space<vmem>> -> memref<1x512xf32, #tpu.memory_space<vmem>>
      %dma_start3A_333 = tpu.memref_squeeze %dma_start3A_332 : memref<1x512xf32, #tpu.memory_space<vmem>> -> memref<512xf32, #tpu.memory_space<vmem>>
      %dma_start3A_334 = tpu.memref_slice %arg7[%run_scoped3A_329, %mul3A_2] : memref<4x16384xf32, #tpu.memory_space<hbm>> -> memref<1x512xf32, #tpu.memory_space<hbm>>
      %dma_start3A_335 = tpu.memref_squeeze %dma_start3A_334 : memref<1x512xf32, #tpu.memory_space<hbm>> -> memref<512xf32, #tpu.memory_space<hbm>>
      %dma_start3A_336 = tpu.memref_slice %arg7[%run_scoped3A_329, %mul3A_2] : memref<4x16384xf32, #tpu.memory_space<hbm>> -> memref<1x512xf32, #tpu.memory_space<hbm>>
      %dma_start3A_337 = tpu.memref_squeeze %dma_start3A_336 : memref<1x512xf32, #tpu.memory_space<hbm>> -> memref<512xf32, #tpu.memory_space<hbm>>
      %dma_start3A_338 = arith.constant 0 : i32
      %dma_start3A_339 = tpu.memref_slice %arg9[%run_scoped3A_328, %dma_start3A_338] : memref<4x512xf32, #tpu.memory_space<vmem>> -> memref<1x512xf32, #tpu.memory_space<vmem>>
      %dma_start3A_340 = tpu.memref_squeeze %dma_start3A_339 : memref<1x512xf32, #tpu.memory_space<vmem>> -> memref<512xf32, #tpu.memory_space<vmem>>
      tpu.enqueue_dma source(%dma_start3A_340 : memref<512xf32, #tpu.memory_space<vmem>>) target(%dma_start3A_337 : memref<512xf32, #tpu.memory_space<hbm>>) target_semaphore(%run_scoped3A_330 : memref<!tpu.dma_semaphore, #tpu.memory_space<semaphore_mem>>)
      %dma_wait3A_341 = arith.constant 0 : i32
      %dma_wait3A_342 = tpu.memref_slice %arg9[%run_scoped3A_328, %dma_wait3A_341] : memref<4x512xf32, #tpu.memory_space<vmem>> -> memref<1x512xf32, #tpu.memory_space<vmem>>
      %dma_wait3A_343 = tpu.memref_squeeze %dma_wait3A_342 : memref<1x512xf32, #tpu.memory_space<vmem>> -> memref<512xf32, #tpu.memory_space<vmem>>
      %dma_wait3A_344 = tpu.memref_slice %arg7[%run_scoped3A_329, %mul3A_2] : memref<4x16384xf32, #tpu.memory_space<hbm>> -> memref<1x512xf32, #tpu.memory_space<hbm>>
      %dma_wait3A_345 = tpu.memref_squeeze %dma_wait3A_344 : memref<1x512xf32, #tpu.memory_space<hbm>> -> memref<512xf32, #tpu.memory_space<hbm>>
      %dma_wait3A_346 = tpu.memref_slice %arg7[%run_scoped3A_329, %mul3A_2] : memref<4x16384xf32, #tpu.memory_space<hbm>> -> memref<1x512xf32, #tpu.memory_space<hbm>>
      %dma_wait3A_347 = tpu.memref_squeeze %dma_wait3A_346 : memref<1x512xf32, #tpu.memory_space<hbm>> -> memref<512xf32, #tpu.memory_space<hbm>>
      %dma_wait3A_348 = arith.constant 0 : i32
      %dma_wait3A_349 = tpu.memref_slice %arg9[%run_scoped3A_328, %dma_wait3A_348] : memref<4x512xf32, #tpu.memory_space<vmem>> -> memref<1x512xf32, #tpu.memory_space<vmem>>
      %dma_wait3A_350 = tpu.memref_squeeze %dma_wait3A_349 : memref<1x512xf32, #tpu.memory_space<vmem>> -> memref<512xf32, #tpu.memory_space<vmem>>
      tpu.wait_dma2 semaphore(%run_scoped3A_330 : memref<!tpu.dma_semaphore, #tpu.memory_space<semaphore_mem>>) src(%dma_wait3A_350 : memref<512xf32, #tpu.memory_space<vmem>>) dst(%dma_wait3A_347 : memref<512xf32, #tpu.memory_space<hbm>>)
      tpu.yield
    }) : () -> ()
    return
  }
}

</mosaic_0001>

<sc_bundles>
// kernel: _gather.3.cloned.1.call-start
scs
__scs_entry_jumppad:
0x0: {  	(pc) =	sbr.rel $0x88, $3  }
0x1: {  	(tag) =	ssettag $0x0;
	lr =	simm.s32 $0x1  }
0x2: {  	[smem:$0x3F9F] =	sst lr;
	_ =	strace $0xD0000000  }
0x3: {  	_ = 	snop  }
0x4: {  	_ = 	snop  }
0x5: {  	_ = 	snop  }
0x6: {  	_ = 	snop  }
0x7: {  	_ = 	snop  }
__scs_overlays_trampoline_lowered:
0x8: {  	[smem:$0x3FAE] =	sst s0  }
0x9: {  	[smem:$0x3FAF] =	sst s1  }
0xa: {  	[smem:$0x3FB0] =	sst s2  }
0xb: {  	[smem:$0x3FB1] =	sst s3  }
0xc: {  	[smem:$0x3FB2] =	sst s4  }
0xd: {  	[smem:$0x3FB3] =	sst s5  }
0xe: {  	[smem:$0x3FB4] =	sst s6  }
0xf: {  	[smem:$0x3FB5] =	sst s7  }
0x10: {  	[smem:$0x3FB6] =	sst s8  }
0x11: {  	[smem:$0x3FB7] =	sst s9;
	s0 =	simm.s32 @!p0 $0x0  }
0x12: {  	s1 =	sld [smem:$0x3F9D];
	s0 =	simm.s32 @p0 $0x1  }
0x13: {  	[smem:$0x3FB8] =	sst s0;
	s0 =	simm.s32 @!p1 $0x0  }
0x14: {  	s2 =	sld [smem:$0x3F9C];
	s0 =	simm.s32 @p1 $0x1  }
0x15: {  	[smem:$0x3FB9] =	sst s0;
	s0 =	simm.s32 @!p2 $0x0  }
0x16: {  	s3 =	sld [smem:$0x3FDB];
	s0 =	simm.s32 @p2 $0x1  }
0x17: {  	s4 =	simm.s32 $0x1BF5;
	[smem:$0x3FBB] =	sst s0  }
0x18: {  	s0 =	sld [smem:$0x3F9E];
	_ =	swait.ge [sflag:s4], $0x0  }
0x19: {  	s7 =	sld [smem:$0x3F9F]  }
0x1a: {  	s8 =	sadd.s32 $0xFFFFE003, lr  }
0x1b: {  	s9 =	sadd.s32 $0xFFFFFEF7, lr;
	s5 =	simm.s32 $0xFFFFFFFF;
	p2 =	slt.u32 s8, $0xFFFFF086  }
0x1c: {  	p1 =	slt.u32 s9, $0xF7A;
	s5 =	simm.s32 @!p2 $0x0  }
0x1d: {  	s5 =	simm.s32 @p1 $0x1;
	p0 =	seq.s32 s7, s2  }
0x1e: {  	s7 =	smul.u32 @!p0 $0xF7A, s2;
	p2 =	seq.s32 @!p0 s5, $0x0  }
0x1f: {  	s9 =	smul.u32 $0xF7A, s1;
	s8 =	simm.s32 @!p0 $0x1BF5;
	p2 =	por !p2, p0  }
0x20: {  	[sflag:s8] =	ssyncset.s32 @!p0 $0xFFFFF086;
	s6 =	sadd.s32 @!p0 s3, s7;
	s7 =	simm.s32 @!p0 $0x108  }
0x21: {  	s3 =	sadd.s32 s3, s9;
	s6 =	sadd.s32 @!p0 $0x88, s6;
	s7 =	simm.s32 @p2 $0x1082  }
0x22: {  	[simem:s7], [sflag:s8] =	dma.local @!p0 [hbm:s6], $0xF7A  }
0x23: {  	s9 =	sor.u32 $0xD0000000, s2;
	s6 =	simm.s32 $0x108;
	_ =	swait.ge @!p0 [sflag:s8], $0x0  }
0x24: {  	s3 =	sadd.s32 $0x88, s3;
	s6 =	simm.s32 @!p1 $0x1082;
	[sflag:s4] =	ssyncset.s32 $0xFFFFF086  }
0x25: {  	[simem:s6], [sflag:s4] =	dma.local [hbm:s3], $0xF7A  }
0x26: {  	[smem:$0x3F9F] =	sst s1;
	(tag) =	ssettag s2;
	_ =	strace s9  }
0x27: {  	s1 =	sld [smem:$0x3FAF]  }
0x28: {  	s2 =	sld [smem:$0x3FB0]  }
0x29: {  	s4 =	sld [smem:$0x3FB2]  }
0x2a: {  	p0 =	seq.s32 s5, $0x0;
	s5 =	sld [smem:$0x3FB3]  }
0x2b: {  	s6 =	sld [smem:$0x3FB4]  }
0x2c: {  	s7 =	sld [smem:$0x3FB5]  }
0x2d: {  	s3 =	simm.s32 $0x108;
	s8 =	sld [smem:$0x3FB6]  }
0x2e: {  	s3 =	simm.s32 @!p0 $0x1082;
	s9 =	sld [smem:$0x3FB7]  }
0x2f: {  	lr =	sadd.s32 s0, s3;
	s0 =	sld [smem:$0x3FAE]  }
0x30: {  	s3 =	sld [smem:$0x3FB1]  }
0x31: {  	[smem:$0x3FBA] =	sst s10  }
0x32: {  	s10 =	sld [smem:$0x3FB8];
	_ =	sdelay $0x3  }
0x33: {  	p0 =	seq.s32 s10, $0x1;
	s10 =	sld [smem:$0x3FBA];
	_ =	sdelay $0x3  }
0x34: {  	[smem:$0x3FBA] =	sst s10  }
0x35: {  	s10 =	sld [smem:$0x3FB9];
	_ =	sdelay $0x3  }
0x36: {  	p1 =	seq.s32 s10, $0x1;
	s10 =	sld [smem:$0x3FBA];
	_ =	sdelay $0x3  }
0x37: {  	[smem:$0x3FBA] =	sst s10  }
0x38: {  	s10 =	sld [smem:$0x3FBB]  }
0x39: {  	_ = 	snop;
	(pc) =	sbr.ind lr, $3  }
0x3a: {  	_ = 	snop  }
0x3b: {  	_ = 	snop  }
0x3c: {  	p2 =	seq.s32 s10, $0x1;
	s10 =	sld [smem:$0x3FBA]  }
0x3d: {  	_ =	shalt  }
0x3e: {  	_ =	shalt  }
0x3f: {  	_ =	shalt  }
0x40: {  	_ =	shalt  }
0x41: {  	_ =	shalt  }
0x42: {  	_ =	shalt  }
0x43: {  	_ =	shalt  }
0x44: {  	_ =	shalt  }
0x45: {  	_ =	shalt  }
0x46: {  	_ =	shalt  }
0x47: {  	_ =	shalt  }
0x48: {  	_ =	shalt  }
0x49: {  	_ =	shalt  }
0x4a: {  	_ =	shalt  }
0x4b: {  	_ =	shalt  }
0x4c: {  	_ =	shalt  }
0x4d: {  	_ =	shalt  }
0x4e: {  	_ =	shalt  }
0x4f: {  	_ =	shalt  }
0x50: {  	_ =	shalt  }
0x51: {  	_ =	shalt  }
0x52: {  	_ =	shalt  }
0x53: {  	_ =	shalt  }
0x54: {  	_ =	shalt  }
0x55: {  	_ =	shalt  }
0x56: {  	_ =	shalt  }
0x57: {  	_ =	shalt  }
0x58: {  	_ =	shalt  }
0x59: {  	_ =	shalt  }
0x5a: {  	_ =	shalt  }
0x5b: {  	_ =	shalt  }
0x5c: {  	_ =	shalt  }
0x5d: {  	_ =	shalt  }
0x5e: {  	_ =	shalt  }
0x5f: {  	_ =	shalt  }
0x60: {  	_ =	shalt  }
0x61: {  	_ =	shalt  }
0x62: {  	_ =	shalt  }
0x63: {  	_ =	shalt  }
0x64: {  	_ =	shalt  }
0x65: {  	_ =	shalt  }
0x66: {  	_ =	shalt  }
0x67: {  	_ =	shalt  }
0x68: {  	_ =	shalt  }
0x69: {  	_ =	shalt  }
0x6a: {  	_ =	shalt  }
0x6b: {  	_ =	shalt  }
0x6c: {  	_ =	shalt  }
0x6d: {  	_ =	shalt  }
0x6e: {  	_ =	shalt  }
0x6f: {  	_ =	shalt  }
0x70: {  	_ =	shalt  }
0x71: {  	_ =	shalt  }
0x72: {  	_ =	shalt  }
0x73: {  	_ =	shalt  }
0x74: {  	_ =	shalt  }
0x75: {  	_ =	shalt  }
0x76: {  	_ =	shalt  }
0x77: {  	_ =	shalt  }
0x78: {  	_ =	shalt  }
0x79: {  	_ =	shalt  }
0x7a: {  	_ =	shalt  }
0x7b: {  	_ =	shalt  }
0x7c: {  	_ =	shalt  }
0x7d: {  	_ =	shalt  }
0x7e: {  	_ =	shalt  }
0x7f: {  	_ =	shalt  }
0x80: {  	_ =	shalt  }
0x81: {  	_ =	shalt  }
0x82: {  	_ =	shalt  }
0x83: {  	_ =	shalt  }
0x84: {  	_ =	shalt  }
0x85: {  	_ =	shalt  }
0x86: {  	_ =	shalt  }
0x87: {  	_ =	shalt  }
.Lfunc_end0:
.L_simem_size_0:
called_computation_lowered:
.L_overlay_start_0:
0x88: {  	s2 =	sld [smem:$0x3FD9]  }
0x89: {  	s3 =	sld [smem:$0x3FFE];
	_ =	sdelay $0x1  }
0x8a: {  	s1 =	srdreg.scid  }
0x8b: {  	s0 =	sand.u32 $0x1, s1  }
0x8c: {  	s17 =	sshll.u32 s0, $0xA;
	s2 =	sadd.s32 s3, s2  }
0x8d: {  	s2 =	sadd.s32 s2, s17  }
0x8e: {  	[smem:$0x3FC6] =	sst s2  }
0x8f: {  	_ = 	snop  }
0x90: {  	s2 =	sld [smem:$0x3FC9]  }
0x91: {  	s18 =	sld [smem:$0x3FD0];
	(tm) =	ssettm $0x1  }
0x92: {  	s4 =	sld [smem:$0x3FFB];
	_ =	sdelay $0x3  }
0x93: {  	_ =	strace s4  }
0x94: {  	s4 =	sld [smem:$0x3FFC];
	_ =	sdelay $0x3  }
0x95: {  	_ =	strace s4  }
0x96: {  	s4 =	sld [smem:$0x3FFD];
	_ =	sdelay $0x3  }
0x97: {  	_ =	strace s4  }
0x98: {  	_ =	strace $0x8FFFFFFF  }
0x99: {  	s19 =	sld [smem:$0x3FDB];
	_ =	sdelay $0x1  }
0x9a: {  	s5 =	simm.s32 $_scs_section_size  }
0x9b: {  	s6 =	simm.s32 $_size__tile_overlayer_lowered;
	s7 =	simm.s32 $_tile_overlayer_lowered  }
0x9c: {  	s22 =	simm.s32 $0x1BFF;
	s21 =	sshll.u32 s7, $0x1;
	s4 =	sadd.s32 s5, s19  }
0x9d: {  	s8 =	simm.s32 $0x0;
	s20 =	sshll.u32 s6, $0x1;
	s6 =	sadd.s32 s21, s4  }
0x9e: {  	[timem:s8], [sflag:s22] =	dma.local [hbm:s6], s20  }
0x9f: {  	_ =	swait.ge [sflag:s22], s20  }
0xa0: {  	s5 =	ssub.s32 $0x0, s20;
	[sflag:s22] =	ssyncset.done $0x0  }
0xa1: {  	[sflag:s22] =	ssyncadd.s32 s5;
	_ =	sdelay $0x1  }
0xa2: {  	s23 =	simm.s32 $0x1B8B  }
0xa3: {  	_ =	swait.ge [sflag:s23], $0x1  }
0xa4: {  	[sflag:s23] =	ssyncset.done $0x0  }
0xa5: {  	s25 =	simm.s32 $0x1B8E;
	s24 =	sld [smem:$0x3FFE];
	[sflag:s23] =	ssyncadd.s32 $0xFFFFFFFF  }
0xa6: {  	s26 =	simm.s32 $execute0_lowered;
	[smem:$0x3FD2] =	sst s25  }
0xa7: {  	s6 =	sshll.u32 s26, $0x1;
	_ =	strace $0x80000046;
	[dreg:$0x1] =	wrdreg $0xFFFFFFFF  }
0xa8: {  	s28 =	simm.s32 $_size_execute0_lowered;
	s4 =	sadd.s32 s4, s6;
	[dreg:$0x0] =	wrdreg $0x0  }
0xa9: {  	s6 =	sshll.u32 s28, $0x1;
	[dreg:$0x2] =	wrdreg s4  }
0xaa: {  	[dreg:$0x3] =	wrdreg s6  }
0xab: {  	[dreg:$0x4] =	wrdreg $0xC0  }
0xac: {  	_ =	task [dreg:s8], $0x5FFFF  }
0xad: {  	[dreg:$0x1] =	wrdreg $0xFFFFFFFF  }
0xae: {  	[dreg:$0x0] =	wrdreg $0x60  }
0xaf: {  	[dreg:$0x2] =	wrdreg s2  }
0xb0: {  	[dreg:$0x3] =	wrdreg s24  }
0xb1: {  	[dreg:$0x4] =	wrdreg s18  }
0xb2: {  	[dreg:$0x5] =	wrdreg $0x9  }
0xb3: {  	_ =	task.clear_ibuf [dreg:s8], $0x6FFFF;
	_ =	strace $0x90000046  }
0xb4: {  	s29 =	simm.s32 $0x9;
	_ =	strace $0x80000048  }
0xb5: {  	_ =	swait.ge [sflag:s29], $0x1  }
0xb6: {  	[sflag:s29] =	ssyncadd.s32 $0xFFFFFFFF  }
0xb7: {  	_ =	strace $0x90000048  }
0xb8: {  	_ =	sfence  }
0xb9: {  	s30 =	sld [smem:$0x0];
	_ =	sdelay $0x2  }
0xba: {  	s31 =	sshll.u32 s1, $0xD;
	s1 =	sshrl.u32 s1, $0x2  }
0xbb: {  	s3 =	sand.u32 $0x4000, s31;
	s1 =	sadd.s32 s1, s30  }
0xbc: {  	s0 =	sor.u32 s3, s0;
	s1 =	sshll.u32 s1, $0x11  }
0xbd: {  	s0 =	sor.u32 s1, s0  }
0xbe: {  	s0 =	sadd.s32 $0x8F2B, s0  }
0xbf: {  	[sflag:s0] =	ssyncadd.remote.s32 $0x1  }
0xc0: {  	_ =	sfence.sel $0xFFFF  }
0xc1: {  	[dreg:$0x0] =	wrdreg $0xFFFFFFFF;
	(pc) =	sbr.abs _section_cstart, $3  }
0xc2: {  	[dreg:$0x1] =	wrdreg $0xFFFFFFFF  }
0xc3: {  	_ =	task.clear_ibuf [dreg:s8], $0x2FFFF;
	_ =	strace $0x9FFFFFFF  }
0xc4: {  	(tm) =	ssettm $0x7FFFFFFF  }
0xc5: {  	_ =	shalt  }
tec
execute0_lowered:
.L_overlay_start_1:
0x0: {  	(tag) =	ssettag $0x1  }
0x1: {  	s0 =	rddreg [dreg:$0x0]  }
0x2: {  	s24 =	rddreg [dreg:$0x1]  }
0x3: {  	s2 =	rddreg [dreg:$0x2]  }
0x4: {  	s22 =	rddreg [dreg:$0x3];
	s1 =	simm.s32 $0x0;
	s3 =	srdreg.scid  }
0x5: {  	s9 =	stileid.u32;
	s30 =	simm.s32 $0x80;
	s31 =	simm.s32 $0x100  }
0x6: {  	s20 =	simm.s32 $0x280;
	s12 =	simm.s32 $0x680;
	s10 =	simm.s32 $0x300  }
0x7: {  	s11 =	simm.s32 $0x500;
	p0 =	por $0x0, $0x0;
	s8 =	simm.s32 $0x900  }
0x8: {  	s13 =	simm.s32 $0x380;
	s14 =	simm.s32 $0x580;
	s19 =	simm.s32 $0x980  }
0x9: {  	[smem:$0x7FF] =	sst s1;
	s29 =	sadd.s32 $0x9600, s24;
	s3 =	sand.u32 $0x1, s3  }
0xa: {  	s28 =	sadd.s32 $0x6400, s24;
	s6 =	sshll.u32 s9, $0x9;
	s4 =	ssub.s32 $0x2, s3  }
0xb: {  	s5 =	sshll.u32 s3, $0x6;
	s3 =	sshll.u32 s3, $0x8;
	s23 =	sshrl.u32 s4, $0x1  }
0xc: {  	s26 =	sadd.s32 $0x3200, s24;
	s3 =	sor.u32 s3, s6;
	s25 =	ssub.s32 s4, s23  }
0xd: {  	s7 =	sshll.u32 s9, $0x7;
	s21 =	sadd.s32 s2, s3;
	s2 =	smax.u32 s25, $0x1  }
0xe: {  	_ =	strace $0x80000047;
	s0 =	sadd.s32 s0, s5;
	p1 =	sne.s32 s2, $0x1  }
.Ltmp0:
0xf: {  	s6 =	simm.s32 $0x880;
	s5 =	simm.s32 $0x700;
	(pc) =	sbr.rel @!p1 .LBB2_5-.Ltmp0, $4  }
0x10: {  	s0 =	sadd.s32 s7, s0;
	s3 =	simm.s32 $0x2;
	s23 =	simm.s32 $0x400  }
0x11: {  	s7 =	simm.s32 $0x480;
	s4 =	simm.s32 $0x780;
	[dreg:$0x4] =	wrdreg s0  }
0x12: {  	s18 =	sadd.s32 $0x10, s21;
	s17 =	sadd.s32 $0x20, s21;
	s16 =	sadd.s32 $0x30, s21  }
0x13: {  	s0 =	simm.s32 $0x180;
	s25 =	simm.s32 $0x1;
	s15 =	sadd.s32 $0xFFFFFFFF, s2  }
0x14: {  	s2 =	rddreg [dreg:$0x4]  }
0x15: {  	[tilespmem:s1], [sflag:$0x2] =	stream.linear.gather [hbm4b:s2+s1], $0x200, $0x38;
	[tilespmem:$0xA00] =	vst v63  }
0x16: {  	_ =	swait.ge [sflag:s3], $0x200  }
0x17: {  	[sflag:s3] =	ssyncset.done $0x0  }
0x18: {  	s9 =	simm.s32 $0x200;
	[sflag:s3] =	ssyncadd.s32 $0xFFFFFE00  }
0x19: {  	[tilespmem:s9], [sflag:$0x1] =	stream.indirect.gather [hbm4b:s29+s30], $0x1, s1, s30, $0xb8;
	[tilespmem:$0xA00] =	vst v63  }
0x1a: {  	_ = 	snop  }
0x1b: {  	[tilespmem:s23], [sflag:$0x1] =	stream.indirect.gather [hbm4b:s29+s30], $0x1, s30, s30, $0xb8;
	[tilespmem:$0xA00] =	vst v63  }
0x1c: {  	s2 =	simm.s32 $0x600  }
0x1d: {  	[tilespmem:s2], [sflag:$0x1] =	stream.indirect.gather [hbm4b:s29+s30], $0x1, s31, s30, $0xb8;
	[tilespmem:$0xA00] =	vst v63  }
0x1e: {  	s22 =	simm.s32 $0x800  }
0x1f: {  	[tilespmem:s22], [sflag:$0x1] =	stream.indirect.gather [hbm4b:s29+s30], $0x1, s0, s30, $0xb8;
	[tilespmem:$0xA00] =	vst v63  }
0x20: {  	_ = 	snop  }
0x21: {  	[tilespmem:s20], [sflag:$0x1] =	stream.indirect.gather [hbm4b:s28+s30], $0x1, s1, s30, $0xb8;
	[tilespmem:$0xA00] =	vst v63  }
0x22: {  	_ = 	snop  }
0x23: {  	[tilespmem:s7], [sflag:$0x1] =	stream.indirect.gather [hbm4b:s28+s30], $0x1, s30, s30, $0xb8;
	[tilespmem:$0xA00] =	vst v63  }
0x24: {  	_ = 	snop  }
0x25: {  	[tilespmem:s12], [sflag:$0x1] =	stream.indirect.gather [hbm4b:s28+s30], $0x1, s31, s30, $0xb8;
	[tilespmem:$0xA00] =	vst v63  }
0x26: {  	_ = 	snop  }
0x27: {  	[tilespmem:s6], [sflag:$0x1] =	stream.indirect.gather [hbm4b:s28+s30], $0x1, s0, s30, $0xb8;
	[tilespmem:$0xA00] =	vst v63  }
0x28: {  	_ = 	snop  }
0x29: {  	[tilespmem:s10], [sflag:$0x1] =	stream.indirect.gather [hbm4b:s26+s30], $0x1, s1, s30, $0xb8;
	[tilespmem:$0xA00] =	vst v63  }
0x2a: {  	_ = 	snop  }
0x2b: {  	[tilespmem:s11], [sflag:$0x1] =	stream.indirect.gather [hbm4b:s26+s30], $0x1, s30, s30, $0xb8;
	[tilespmem:$0xA00] =	vst v63  }
0x2c: {  	_ = 	snop  }
0x2d: {  	[tilespmem:s5], [sflag:$0x1] =	stream.indirect.gather [hbm4b:s26+s30], $0x1, s31, s30, $0xb8;
	[tilespmem:$0xA00] =	vst v63  }
0x2e: {  	_ = 	snop  }
0x2f: {  	[tilespmem:s8], [sflag:$0x1] =	stream.indirect.gather [hbm4b:s26+s30], $0x1, s0, s30, $0xb8;
	[tilespmem:$0xA00] =	vst v63  }
0x30: {  	_ = 	snop  }
0x31: {  	[tilespmem:s13], [sflag:$0x1] =	stream.indirect.gather [hbm4b:s24+s30], $0x1, s1, s30, $0xb8;
	[tilespmem:$0xA00] =	vst v63  }
0x32: {  	_ = 	snop  }
0x33: {  	[tilespmem:s14], [sflag:$0x1] =	stream.indirect.gather [hbm4b:s24+s30], $0x1, s30, s30, $0xb8;
	[tilespmem:$0xA00] =	vst v63  }
0x34: {  	_ = 	snop  }
0x35: {  	[tilespmem:s4], [sflag:$0x1] =	stream.indirect.gather [hbm4b:s24+s30], $0x1, s31, s30, $0xb8;
	[tilespmem:$0xA00] =	vst v63  }
0x36: {  	_ = 	snop  }
0x37: {  	[tilespmem:s19], [sflag:$0x1] =	stream.indirect.gather [hbm4b:s24+s30], $0x1, s0, s30, $0xb8;
	[tilespmem:$0xA00] =	vst v63  }
0x38: {  	_ =	swait.ge [sflag:s25], $0x80  }
0x39: {  	[sflag:s25] =	ssyncset.done $0x0  }
0x3a: {  	[sflag:s25] =	ssyncadd.s32 $0xFFFFFF80  }
0x3b: {  	_ =	swait.ge [sflag:s25], $0x80  }
0x3c: {  	[sflag:s25] =	ssyncset.done $0x0  }
0x3d: {  	[sflag:s25] =	ssyncadd.s32 $0xFFFFFF80  }
0x3e: {  	_ =	swait.ge [sflag:s25], $0x80  }
0x3f: {  	[sflag:s25] =	ssyncset.done $0x0  }
0x40: {  	[sflag:s25] =	ssyncadd.s32 $0xFFFFFF80  }
0x41: {  	_ =	swait.ge [sflag:s25], $0x80  }
0x42: {  	[sflag:s25] =	ssyncset.done $0x0  }
0x43: {  	[sflag:s25] =	ssyncadd.s32 $0xFFFFFF80  }
0x44: {  	_ =	swait.ge [sflag:s25], $0x80  }
0x45: {  	[sflag:s25] =	ssyncset.done $0x0  }
0x46: {  	[sflag:s25] =	ssyncadd.s32 $0xFFFFFF80  }
0x47: {  	_ =	swait.ge [sflag:s25], $0x80  }
0x48: {  	[sflag:s25] =	ssyncset.done $0x0  }
0x49: {  	[sflag:s25] =	ssyncadd.s32 $0xFFFFFF80  }
0x4a: {  	_ =	swait.ge [sflag:s25], $0x80  }
0x4b: {  	[sflag:s25] =	ssyncset.done $0x0  }
0x4c: {  	[sflag:s25] =	ssyncadd.s32 $0xFFFFFF80  }
0x4d: {  	_ =	swait.ge [sflag:s25], $0x80  }
0x4e: {  	[sflag:s25] =	ssyncset.done $0x0  }
0x4f: {  	[sflag:s25] =	ssyncadd.s32 $0xFFFFFF80  }
0x50: {  	_ =	swait.ge [sflag:s25], $0x80  }
0x51: {  	[sflag:s25] =	ssyncset.done $0x0  }
0x52: {  	[sflag:s25] =	ssyncadd.s32 $0xFFFFFF80  }
0x53: {  	_ =	swait.ge [sflag:s25], $0x80  }
0x54: {  	[sflag:s25] =	ssyncset.done $0x0  }
0x55: {  	[sflag:s25] =	ssyncadd.s32 $0xFFFFFF80  }
0x56: {  	_ =	swait.ge [sflag:s25], $0x80  }
0x57: {  	[sflag:s25] =	ssyncset.done $0x0  }
0x58: {  	[sflag:s25] =	ssyncadd.s32 $0xFFFFFF80  }
0x59: {  	_ =	swait.ge [sflag:s25], $0x80  }
0x5a: {  	[sflag:s25] =	ssyncset.done $0x0  }
0x5b: {  	[sflag:s25] =	ssyncadd.s32 $0xFFFFFF80  }
0x5c: {  	_ =	swait.ge [sflag:s25], $0x80  }
0x5d: {  	[sflag:s25] =	ssyncset.done $0x0  }
0x5e: {  	[sflag:s25] =	ssyncadd.s32 $0xFFFFFF80  }
0x5f: {  	_ =	swait.ge [sflag:s25], $0x80  }
0x60: {  	[sflag:s25] =	ssyncset.done $0x0  }
0x61: {  	[sflag:s25] =	ssyncadd.s32 $0xFFFFFF80  }
0x62: {  	_ =	swait.ge [sflag:s25], $0x80  }
0x63: {  	[sflag:s25] =	ssyncset.done $0x0  }
0x64: {  	[sflag:s25] =	ssyncadd.s32 $0xFFFFFF80  }
0x65: {  	_ =	swait.ge [sflag:s25], $0x80  }
0x66: {  	[sflag:s25] =	ssyncset.done $0x0  }
0x67: {  	s4 =	sadd.s32 $0xC0, s21;
	[sflag:s25] =	ssyncadd.s32 $0xFFFFFF80  }
0x68: {  	[hbm4b:s21+s1] =	stream.linear.scatter [tilespmem:s9], [sflag:$0x2], $0x80, $0x38;
	[tilespmem:$0xA00] =	vst v63  }
0x69: {  	[dreg:$0x7] =	wrdreg s4;
	s9 =	sadd.s32 $0x40, s21  }
0x6a: {  	[hbm4b:s9+s1] =	stream.linear.scatter [tilespmem:s23], [sflag:$0x2], $0x80, $0x38;
	[tilespmem:$0xA00] =	vst v63  }
0x6b: {  	[dreg:$0x5] =	wrdreg s9;
	s23 =	sadd.s32 $0x80, s21  }
0x6c: {  	[hbm4b:s23+s1] =	stream.linear.scatter [tilespmem:s2], [sflag:$0x2], $0x80, $0x38;
	[tilespmem:$0xA00] =	vst v63  }
0x6d: {  	[dreg:$0x6] =	wrdreg s23  }
0x6e: {  	[hbm4b:s4+s1] =	stream.linear.scatter [tilespmem:s22], [sflag:$0x2], $0x80, $0x38;
	[tilespmem:$0xA00] =	vst v63  }
0x6f: {  	_ =	swait.ge [sflag:s3], $0x200  }
0x70: {  	[sflag:s3] =	ssyncset.done $0x0  }
0x71: {  	s23 =	sadd.s32 $0x40, s18;
	[dreg:$0x8] =	wrdreg s21;
	[sflag:s3] =	ssyncadd.s32 $0xFFFFFE00  }
0x72: {  	[hbm4b:s18+s1] =	stream.linear.scatter [tilespmem:s20], [sflag:$0x2], $0x80, $0x38;
	[tilespmem:$0xA00] =	vst v63  }
0x73: {  	s4 =	sadd.s32 $0x80, s18;
	[dreg:$0x9] =	wrdreg s23  }
0x74: {  	[hbm4b:s23+s1] =	stream.linear.scatter [tilespmem:s7], [sflag:$0x2], $0x80, $0x38;
	[tilespmem:$0xA00] =	vst v63  }
0x75: {  	[dreg:$0xa] =	wrdreg s4;
	s7 =	sadd.s32 $0xC0, s18  }
0x76: {  	[hbm4b:s4+s1] =	stream.linear.scatter [tilespmem:s12], [sflag:$0x2], $0x80, $0x38;
	[tilespmem:$0xA00] =	vst v63  }
0x77: {  	[dreg:$0xb] =	wrdreg s7  }
0x78: {  	[hbm4b:s7+s1] =	stream.linear.scatter [tilespmem:s6], [sflag:$0x2], $0x80, $0x38;
	[tilespmem:$0xA00] =	vst v63  }
0x79: {  	_ =	swait.ge [sflag:s3], $0x200  }
0x7a: {  	[sflag:s3] =	ssyncset.done $0x0  }
0x7b: {  	s12 =	sadd.s32 $0x80, s17;
	[sflag:s3] =	ssyncadd.s32 $0xFFFFFE00  }
0x7c: {  	[hbm4b:s17+s1] =	stream.linear.scatter [tilespmem:s10], [sflag:$0x2], $0x80, $0x38;
	[tilespmem:$0xA00] =	vst v63  }
0x7d: {  	s20 =	sadd.s32 $0xC0, s17;
	[dreg:$0xd] =	wrdreg s12;
	s10 =	sadd.s32 $0x40, s17  }
0x7e: {  	[hbm4b:s10+s1] =	stream.linear.scatter [tilespmem:s11], [sflag:$0x2], $0x80, $0x38;
	[tilespmem:$0xA00] =	vst v63  }
0x7f: {  	[dreg:$0xe] =	wrdreg s20  }
0x80: {  	[hbm4b:s12+s1] =	stream.linear.scatter [tilespmem:s5], [sflag:$0x2], $0x80, $0x38;
	[tilespmem:$0xA00] =	vst v63  }
0x81: {  	[dreg:$0xc] =	wrdreg s10  }
0x82: {  	[hbm4b:s20+s1] =	stream.linear.scatter [tilespmem:s8], [sflag:$0x2], $0x80, $0x38;
	[tilespmem:$0xA00] =	vst v63  }
0x83: {  	_ =	swait.ge [sflag:s3], $0x200  }
0x84: {  	[sflag:s3] =	ssyncset.done $0x0  }
0x85: {  	[sflag:s3] =	ssyncadd.s32 $0xFFFFFE00  }
0x86: {  	[hbm4b:s16+s1] =	stream.linear.scatter [tilespmem:s13], [sflag:$0x2], $0x80, $0x38;
	[tilespmem:$0xA00] =	vst v63  }
0x87: {  	p1 =	sne.s32 s15, $0x1;
	s21 =	sadd.s32 $0x40, s16  }
0x88: {  	[hbm4b:s21+s1] =	stream.linear.scatter [tilespmem:s14], [sflag:$0x2], $0x80, $0x38;
	[tilespmem:$0xA00] =	vst v63  }
0x89: {  	s9 =	simm.s32 $0x780;
	s22 =	sadd.s32 $0x80, s16;
	[dreg:$0xf] =	wrdreg s21  }
0x8a: {  	[hbm4b:s22+s1] =	stream.linear.scatter [tilespmem:s9], [sflag:$0x2], $0x80, $0x38;
	[tilespmem:$0xA00] =	vst v63  }
.Ltmp1:
0x8b: {  	s23 =	sadd.s32 $0xC0, s16;
	[dreg:$0x10] =	wrdreg s22;
	(pc) =	sbr.rel @!p1 .LBB2_6-.Ltmp1, $4  }
0x8c: {  	[dreg:$0x11] =	wrdreg s23  }
0x8d: {  	[hbm4b:s23+s1] =	stream.linear.scatter [tilespmem:s19], [sflag:$0x2], $0x80, $0x38;
	[tilespmem:$0xA00] =	vst v63  }
0x8e: {  	_ =	swait.ge [sflag:s3], $0x200  }
0x8f: {  	s15 =	sadd.s32 $0xFFFFFFFF, s15;
	p0 =	por $0x1, $0x1;
	[sflag:s3] =	ssyncset.done $0x0  }
0x90: {  	s9 =	simm.s32 $0x400  }
0x91: {  	s20 =	simm.s32 $0x800;
	s12 =	simm.s32 $0x480;
	s14 =	simm.s32 $0x680  }
0x92: {  	s23 =	simm.s32 $0x880;
	s6 =	simm.s32 $0x300;
	s21 =	simm.s32 $0x500  }
0x93: {  	s13 =	simm.s32 $0x700;
	s7 =	simm.s32 $0x900;
	s22 =	simm.s32 $0x380  }
.LBB2_3:
0x94: {  	s5 =	rddreg [dreg:$0x4];
	[sflag:s3] =	ssyncadd.s32 $0xFFFFFE00  }
0x95: {  	[tilespmem:s1], [sflag:$0x2] =	stream.linear.gather [hbm4b:s5+s1], $0x200, $0x38;
	[tilespmem:$0xA00] =	vst v63  }
0x96: {  	_ =	swait.ge [sflag:s3], $0x200  }
0x97: {  	[sflag:s3] =	ssyncset.done $0x0  }
0x98: {  	s11 =	simm.s32 $0x200;
	[sflag:s3] =	ssyncadd.s32 $0xFFFFFE00  }
0x99: {  	[tilespmem:s11], [sflag:$0x1] =	stream.indirect.gather [hbm4b:s29+s30], $0x1, s1, s30, $0xb8;
	[tilespmem:$0xA00] =	vst v63  }
0x9a: {  	_ = 	snop  }
0x9b: {  	[tilespmem:s9], [sflag:$0x1] =	stream.indirect.gather [hbm4b:s29+s30], $0x1, s30, s30, $0xb8;
	[tilespmem:$0xA00] =	vst v63  }
0x9c: {  	s10 =	simm.s32 $0x600  }
0x9d: {  	[tilespmem:s10], [sflag:$0x1] =	stream.indirect.gather [hbm4b:s29+s30], $0x1, s31, s30, $0xb8;
	[tilespmem:$0xA00] =	vst v63  }
0x9e: {  	_ = 	snop  }
0x9f: {  	[tilespmem:s20], [sflag:$0x1] =	stream.indirect.gather [hbm4b:s29+s30], $0x1, s0, s30, $0xb8;
	[tilespmem:$0xA00] =	vst v63  }
0xa0: {  	s5 =	simm.s32 $0x280  }
0xa1: {  	[tilespmem:s5], [sflag:$0x1] =	stream.indirect.gather [hbm4b:s28+s30], $0x1, s1, s30, $0xb8;
	[tilespmem:$0xA00] =	vst v63  }
0xa2: {  	_ = 	snop  }
0xa3: {  	[tilespmem:s12], [sflag:$0x1] =	stream.indirect.gather [hbm4b:s28+s30], $0x1, s30, s30, $0xb8;
	[tilespmem:$0xA00] =	vst v63  }
0xa4: {  	_ = 	snop  }
0xa5: {  	[tilespmem:s14], [sflag:$0x1] =	stream.indirect.gather [hbm4b:s28+s30], $0x1, s31, s30, $0xb8;
	[tilespmem:$0xA00] =	vst v63  }
0xa6: {  	_ = 	snop  }
0xa7: {  	[tilespmem:s23], [sflag:$0x1] =	stream.indirect.gather [hbm4b:s28+s30], $0x1, s0, s30, $0xb8;
	[tilespmem:$0xA00] =	vst v63  }
0xa8: {  	_ = 	snop  }
0xa9: {  	[tilespmem:s6], [sflag:$0x1] =	stream.indirect.gather [hbm4b:s26+s30], $0x1, s1, s30, $0xb8;
	[tilespmem:$0xA00] =	vst v63  }
0xaa: {  	_ = 	snop  }
0xab: {  	[tilespmem:s21], [sflag:$0x1] =	stream.indirect.gather [hbm4b:s26+s30], $0x1, s30, s30, $0xb8;
	[tilespmem:$0xA00] =	vst v63  }
0xac: {  	_ = 	snop  }
0xad: {  	[tilespmem:s13], [sflag:$0x1] =	stream.indirect.gather [hbm4b:s26+s30], $0x1, s31, s30, $0xb8;
	[tilespmem:$0xA00] =	vst v63  }
0xae: {  	_ = 	snop  }
0xaf: {  	[tilespmem:s7], [sflag:$0x1] =	stream.indirect.gather [hbm4b:s26+s30], $0x1, s0, s30, $0xb8;
	[tilespmem:$0xA00] =	vst v63  }
0xb0: {  	s4 =	smov.u32 s16  }
0xb1: {  	[tilespmem:s22], [sflag:$0x1] =	stream.indirect.gather [hbm4b:s24+s30], $0x1, s1, s30, $0xb8;
	[tilespmem:$0xA00] =	vst v63  }
0xb2: {  	s2 =	smov.u32 s17;
	s16 =	smov.u32 s4;
	s4 =	simm.s32 $0x580  }
0xb3: {  	[tilespmem:s4], [sflag:$0x1] =	stream.indirect.gather [hbm4b:s24+s30], $0x1, s30, s30, $0xb8;
	[tilespmem:$0xA00] =	vst v63  }
0xb4: {  	s19 =	smov.u32 s18;
	s17 =	smov.u32 s2;
	s2 =	simm.s32 $0x780  }
0xb5: {  	[tilespmem:s2], [sflag:$0x1] =	stream.indirect.gather [hbm4b:s24+s30], $0x1, s31, s30, $0xb8;
	[tilespmem:$0xA00] =	vst v63  }
0xb6: {  	s18 =	smov.u32 s19;
	s19 =	simm.s32 $0x980  }
0xb7: {  	[tilespmem:s19], [sflag:$0x1] =	stream.indirect.gather [hbm4b:s24+s30], $0x1, s0, s30, $0xb8;
	[tilespmem:$0xA00] =	vst v63  }
0xb8: {  	_ =	swait.ge [sflag:s25], $0x80  }
0xb9: {  	[sflag:s25] =	ssyncset.done $0x0  }
0xba: {  	[sflag:s25] =	ssyncadd.s32 $0xFFFFFF80  }
0xbb: {  	_ =	swait.ge [sflag:s25], $0x80  }
0xbc: {  	[sflag:s25] =	ssyncset.done $0x0  }
0xbd: {  	[sflag:s25] =	ssyncadd.s32 $0xFFFFFF80  }
0xbe: {  	_ =	swait.ge [sflag:s25], $0x80  }
0xbf: {  	[sflag:s25] =	ssyncset.done $0x0  }
0xc0: {  	[sflag:s25] =	ssyncadd.s32 $0xFFFFFF80  }
0xc1: {  	_ =	swait.ge [sflag:s25], $0x80  }
0xc2: {  	[sflag:s25] =	ssyncset.done $0x0  }
0xc3: {  	[sflag:s25] =	ssyncadd.s32 $0xFFFFFF80  }
0xc4: {  	_ =	swait.ge [sflag:s25], $0x80  }
0xc5: {  	[sflag:s25] =	ssyncset.done $0x0  }
0xc6: {  	[sflag:s25] =	ssyncadd.s32 $0xFFFFFF80  }
0xc7: {  	_ =	swait.ge [sflag:s25], $0x80  }
0xc8: {  	[sflag:s25] =	ssyncset.done $0x0  }
0xc9: {  	[sflag:s25] =	ssyncadd.s32 $0xFFFFFF80  }
0xca: {  	_ =	swait.ge [sflag:s25], $0x80  }
0xcb: {  	[sflag:s25] =	ssyncset.done $0x0  }
0xcc: {  	[sflag:s25] =	ssyncadd.s32 $0xFFFFFF80  }
0xcd: {  	_ =	swait.ge [sflag:s25], $0x80  }
0xce: {  	[sflag:s25] =	ssyncset.done $0x0  }
0xcf: {  	[sflag:s25] =	ssyncadd.s32 $0xFFFFFF80  }
0xd0: {  	_ =	swait.ge [sflag:s25], $0x80  }
0xd1: {  	[sflag:s25] =	ssyncset.done $0x0  }
0xd2: {  	[sflag:s25] =	ssyncadd.s32 $0xFFFFFF80  }
0xd3: {  	_ =	swait.ge [sflag:s25], $0x80  }
0xd4: {  	[sflag:s25] =	ssyncset.done $0x0  }
0xd5: {  	[sflag:s25] =	ssyncadd.s32 $0xFFFFFF80  }
0xd6: {  	_ =	swait.ge [sflag:s25], $0x80  }
0xd7: {  	[sflag:s25] =	ssyncset.done $0x0  }
0xd8: {  	[sflag:s25] =	ssyncadd.s32 $0xFFFFFF80  }
0xd9: {  	_ =	swait.ge [sflag:s25], $0x80  }
0xda: {  	[sflag:s25] =	ssyncset.done $0x0  }
0xdb: {  	[sflag:s25] =	ssyncadd.s32 $0xFFFFFF80  }
0xdc: {  	_ =	swait.ge [sflag:s25], $0x80  }
0xdd: {  	[sflag:s25] =	ssyncset.done $0x0  }
0xde: {  	[sflag:s25] =	ssyncadd.s32 $0xFFFFFF80  }
0xdf: {  	_ =	swait.ge [sflag:s25], $0x80  }
0xe0: {  	[sflag:s25] =	ssyncset.done $0x0  }
0xe1: {  	[sflag:s25] =	ssyncadd.s32 $0xFFFFFF80  }
0xe2: {  	_ =	swait.ge [sflag:s25], $0x80  }
0xe3: {  	[sflag:s25] =	ssyncset.done $0x0  }
0xe4: {  	[sflag:s25] =	ssyncadd.s32 $0xFFFFFF80  }
0xe5: {  	_ =	swait.ge [sflag:s25], $0x80  }
0xe6: {  	[sflag:s25] =	ssyncset.done $0x0  }
0xe7: {  	s8 =	rddreg [dreg:$0x8];
	[sflag:s25] =	ssyncadd.s32 $0xFFFFFF80  }
0xe8: {  	[hbm4b:s8+s1] =	stream.linear.scatter [tilespmem:s11], [sflag:$0x2], $0x80, $0x38;
	[tilespmem:$0xA00] =	vst v63  }
0xe9: {  	s8 =	rddreg [dreg:$0x5]  }
0xea: {  	[hbm4b:s8+s1] =	stream.linear.scatter [tilespmem:s9], [sflag:$0x2], $0x80, $0x38;
	[tilespmem:$0xA00] =	vst v63  }
0xeb: {  	s8 =	rddreg [dreg:$0x6]  }
0xec: {  	[hbm4b:s8+s1] =	stream.linear.scatter [tilespmem:s10], [sflag:$0x2], $0x80, $0x38;
	[tilespmem:$0xA00] =	vst v63  }
0xed: {  	s8 =	rddreg [dreg:$0x7]  }
0xee: {  	[hbm4b:s8+s1] =	stream.linear.scatter [tilespmem:s20], [sflag:$0x2], $0x80, $0x38;
	[tilespmem:$0xA00] =	vst v63  }
0xef: {  	_ =	swait.ge [sflag:s3], $0x200  }
0xf0: {  	[sflag:s3] =	ssyncset.done $0x0  }
0xf1: {  	[sflag:s3] =	ssyncadd.s32 $0xFFFFFE00  }
0xf2: {  	[hbm4b:s18+s1] =	stream.linear.scatter [tilespmem:s5], [sflag:$0x2], $0x80, $0x38;
	[tilespmem:$0xA00] =	vst v63  }
0xf3: {  	s10 =	rddreg [dreg:$0x9]  }
0xf4: {  	[hbm4b:s10+s1] =	stream.linear.scatter [tilespmem:s12], [sflag:$0x2], $0x80, $0x38;
	[tilespmem:$0xA00] =	vst v63  }
0xf5: {  	s11 =	rddreg [dreg:$0xa]  }
0xf6: {  	[hbm4b:s11+s1] =	stream.linear.scatter [tilespmem:s14], [sflag:$0x2], $0x80, $0x38;
	[tilespmem:$0xA00] =	vst v63  }
0xf7: {  	s5 =	rddreg [dreg:$0xb]  }
0xf8: {  	[hbm4b:s5+s1] =	stream.linear.scatter [tilespmem:s23], [sflag:$0x2], $0x80, $0x38;
	[tilespmem:$0xA00] =	vst v63  }
0xf9: {  	_ =	swait.ge [sflag:s3], $0x200  }
0xfa: {  	[sflag:s3] =	ssyncset.done $0x0  }
0xfb: {  	[sflag:s3] =	ssyncadd.s32 $0xFFFFFE00  }
0xfc: {  	[hbm4b:s17+s1] =	stream.linear.scatter [tilespmem:s6], [sflag:$0x2], $0x80, $0x38;
	[tilespmem:$0xA00] =	vst v63  }
0xfd: {  	s8 =	rddreg [dreg:$0xc]  }
0xfe: {  	[hbm4b:s8+s1] =	stream.linear.scatter [tilespmem:s21], [sflag:$0x2], $0x80, $0x38;
	[tilespmem:$0xA00] =	vst v63  }
0xff: {  	s10 =	rddreg [dreg:$0xd]  }
0x100: {  	[hbm4b:s10+s1] =	stream.linear.scatter [tilespmem:s13], [sflag:$0x2], $0x80, $0x38;
	[tilespmem:$0xA00] =	vst v63  }
0x101: {  	s11 =	rddreg [dreg:$0xe]  }
0x102: {  	[hbm4b:s11+s1] =	stream.linear.scatter [tilespmem:s7], [sflag:$0x2], $0x80, $0x38;
	[tilespmem:$0xA00] =	vst v63  }
0x103: {  	_ =	swait.ge [sflag:s3], $0x200  }
0x104: {  	[sflag:s3] =	ssyncset.done $0x0  }
0x105: {  	[sflag:s3] =	ssyncadd.s32 $0xFFFFFE00  }
0x106: {  	[hbm4b:s16+s1] =	stream.linear.scatter [tilespmem:s22], [sflag:$0x2], $0x80, $0x38;
	[tilespmem:$0xA00] =	vst v63  }
0x107: {  	s8 =	rddreg [dreg:$0xf]  }
0x108: {  	[hbm4b:s8+s1] =	stream.linear.scatter [tilespmem:s4], [sflag:$0x2], $0x80, $0x38;
	[tilespmem:$0xA00] =	vst v63  }
0x109: {  	p1 =	sne.s32 s15, $0x1;
	s10 =	rddreg [dreg:$0x10]  }
0x10a: {  	[hbm4b:s10+s1] =	stream.linear.scatter [tilespmem:s2], [sflag:$0x2], $0x80, $0x38;
	[tilespmem:$0xA00] =	vst v63  }
.Ltmp2:
0x10b: {  	_ = 	snop;
	(pc) =	sbr.rel @p1 .LBB2_3-.Ltmp2, $4  }
0x10c: {  	s11 =	rddreg [dreg:$0x11]  }
0x10d: {  	[hbm4b:s11+s1] =	stream.linear.scatter [tilespmem:s19], [sflag:$0x2], $0x80, $0x38;
	[tilespmem:$0xA00] =	vst v63  }
0x10e: {  	_ =	swait.ge [sflag:s3], $0x200  }
0x10f: {  	s15 =	sadd.s32 $0xFFFFFFFF, s15;
	[sflag:s3] =	ssyncset.done $0x0  }
0x110: {  	s22 =	rddreg [dreg:$0x3];
	s9 =	stileid.u32;
	s4 =	simm.s32 $0x780  }
0x111: {  	s21 =	rddreg [dreg:$0x8];
	s14 =	simm.s32 $0x580;
	s13 =	simm.s32 $0x380  }
0x112: {  	s11 =	simm.s32 $0x500;
	s10 =	simm.s32 $0x300;
	s8 =	simm.s32 $0x900  }
0x113: {  	s5 =	simm.s32 $0x700;
	s6 =	simm.s32 $0x880;
	s12 =	simm.s32 $0x680  }
0x114: {  	s7 =	simm.s32 $0x480;
	s20 =	simm.s32 $0x280;
	s23 =	simm.s32 $0x400  }
.LBB2_5:
0x115: {  	s2 =	rddreg [dreg:$0x4];
	[sflag:s3] =	ssyncadd.s32 @p0 $0xFFFFFE00  }
0x116: {  	[tilespmem:s1], [sflag:$0x2] =	stream.linear.gather [hbm4b:s2+s1], $0x200, $0x38;
	[tilespmem:$0xA00] =	vst v63  }
0x117: {  	_ =	swait.ge [sflag:s3], $0x200  }
0x118: {  	[sflag:s3] =	ssyncset.done $0x0  }
0x119: {  	s2 =	simm.s32 $0x200;
	[sflag:s3] =	ssyncadd.s32 $0xFFFFFE00  }
0x11a: {  	[tilespmem:s2], [sflag:$0x1] =	stream.indirect.gather [hbm4b:s29+s30], $0x1, s1, s30, $0xb8;
	[tilespmem:$0xA00] =	vst v63  }
0x11b: {  	_ = 	snop  }
0x11c: {  	[tilespmem:s23], [sflag:$0x1] =	stream.indirect.gather [hbm4b:s29+s30], $0x1, s30, s30, $0xb8;
	[tilespmem:$0xA00] =	vst v63  }
0x11d: {  	s15 =	simm.s32 $0x600  }
0x11e: {  	[tilespmem:s15], [sflag:$0x1] =	stream.indirect.gather [hbm4b:s29+s30], $0x1, s31, s30, $0xb8;
	[tilespmem:$0xA00] =	vst v63  }
0x11f: {  	s15 =	simm.s32 $0x800  }
0x120: {  	[tilespmem:s15], [sflag:$0x1] =	stream.indirect.gather [hbm4b:s29+s30], $0x1, s0, s30, $0xb8;
	[tilespmem:$0xA00] =	vst v63  }
0x121: {  	_ = 	snop  }
0x122: {  	[tilespmem:s20], [sflag:$0x1] =	stream.indirect.gather [hbm4b:s28+s30], $0x1, s1, s30, $0xb8;
	[tilespmem:$0xA00] =	vst v63  }
0x123: {  	_ = 	snop  }
0x124: {  	[tilespmem:s7], [sflag:$0x1] =	stream.indirect.gather [hbm4b:s28+s30], $0x1, s30, s30, $0xb8;
	[tilespmem:$0xA00] =	vst v63  }
0x125: {  	_ = 	snop  }
0x126: {  	[tilespmem:s12], [sflag:$0x1] =	stream.indirect.gather [hbm4b:s28+s30], $0x1, s31, s30, $0xb8;
	[tilespmem:$0xA00] =	vst v63  }
0x127: {  	_ = 	snop  }
0x128: {  	[tilespmem:s6], [sflag:$0x1] =	stream.indirect.gather [hbm4b:s28+s30], $0x1, s0, s30, $0xb8;
	[tilespmem:$0xA00] =	vst v63  }
0x129: {  	_ = 	snop  }
0x12a: {  	[tilespmem:s10], [sflag:$0x1] =	stream.indirect.gather [hbm4b:s26+s30], $0x1, s1, s30, $0xb8;
	[tilespmem:$0xA00] =	vst v63  }
0x12b: {  	_ = 	snop  }
0x12c: {  	[tilespmem:s11], [sflag:$0x1] =	stream.indirect.gather [hbm4b:s26+s30], $0x1, s30, s30, $0xb8;
	[tilespmem:$0xA00] =	vst v63  }
0x12d: {  	_ = 	snop  }
0x12e: {  	[tilespmem:s5], [sflag:$0x1] =	stream.indirect.gather [hbm4b:s26+s30], $0x1, s31, s30, $0xb8;
	[tilespmem:$0xA00] =	vst v63  }
0x12f: {  	_ = 	snop  }
0x130: {  	[tilespmem:s8], [sflag:$0x1] =	stream.indirect.gather [hbm4b:s26+s30], $0x1, s0, s30, $0xb8;
	[tilespmem:$0xA00] =	vst v63  }
0x131: {  	_ = 	snop  }
0x132: {  	[tilespmem:s13], [sflag:$0x1] =	stream.indirect.gather [hbm4b:s24+s30], $0x1, s1, s30, $0xb8;
	[tilespmem:$0xA00] =	vst v63  }
0x133: {  	_ = 	snop  }
0x134: {  	[tilespmem:s14], [sflag:$0x1] =	stream.indirect.gather [hbm4b:s24+s30], $0x1, s30, s30, $0xb8;
	[tilespmem:$0xA00] =	vst v63  }
0x135: {  	_ = 	snop  }
0x136: {  	[tilespmem:s4], [sflag:$0x1] =	stream.indirect.gather [hbm4b:s24+s30], $0x1, s31, s30, $0xb8;
	[tilespmem:$0xA00] =	vst v63  }
0x137: {  	_ = 	snop  }
0x138: {  	[tilespmem:s19], [sflag:$0x1] =	stream.indirect.gather [hbm4b:s24+s30], $0x1, s0, s30, $0xb8;
	[tilespmem:$0xA00] =	vst v63  }
0x139: {  	_ =	swait.ge [sflag:s25], $0x80  }
0x13a: {  	[sflag:s25] =	ssyncset.done $0x0  }
0x13b: {  	[sflag:s25] =	ssyncadd.s32 $0xFFFFFF80  }
0x13c: {  	_ =	swait.ge [sflag:s25], $0x80  }
0x13d: {  	[sflag:s25] =	ssyncset.done $0x0  }
0x13e: {  	[sflag:s25] =	ssyncadd.s32 $0xFFFFFF80  }
0x13f: {  	_ =	swait.ge [sflag:s25], $0x80  }
0x140: {  	[sflag:s25] =	ssyncset.done $0x0  }
0x141: {  	[sflag:s25] =	ssyncadd.s32 $0xFFFFFF80  }
0x142: {  	_ =	swait.ge [sflag:s25], $0x80  }
0x143: {  	[sflag:s25] =	ssyncset.done $0x0  }
0x144: {  	[sflag:s25] =	ssyncadd.s32 $0xFFFFFF80  }
0x145: {  	_ =	swait.ge [sflag:s25], $0x80  }
0x146: {  	[sflag:s25] =	ssyncset.done $0x0  }
0x147: {  	[sflag:s25] =	ssyncadd.s32 $0xFFFFFF80  }
0x148: {  	_ =	swait.ge [sflag:s25], $0x80  }
0x149: {  	[sflag:s25] =	ssyncset.done $0x0  }
0x14a: {  	[sflag:s25] =	ssyncadd.s32 $0xFFFFFF80  }
0x14b: {  	_ =	swait.ge [sflag:s25], $0x80  }
0x14c: {  	[sflag:s25] =	ssyncset.done $0x0  }
0x14d: {  	[sflag:s25] =	ssyncadd.s32 $0xFFFFFF80  }
0x14e: {  	_ =	swait.ge [sflag:s25], $0x80  }
0x14f: {  	[sflag:s25] =	ssyncset.done $0x0  }
0x150: {  	[sflag:s25] =	ssyncadd.s32 $0xFFFFFF80  }
0x151: {  	_ =	swait.ge [sflag:s25], $0x80  }
0x152: {  	[sflag:s25] =	ssyncset.done $0x0  }
0x153: {  	[sflag:s25] =	ssyncadd.s32 $0xFFFFFF80  }
0x154: {  	_ =	swait.ge [sflag:s25], $0x80  }
0x155: {  	[sflag:s25] =	ssyncset.done $0x0  }
0x156: {  	[sflag:s25] =	ssyncadd.s32 $0xFFFFFF80  }
0x157: {  	_ =	swait.ge [sflag:s25], $0x80  }
0x158: {  	[sflag:s25] =	ssyncset.done $0x0  }
0x159: {  	[sflag:s25] =	ssyncadd.s32 $0xFFFFFF80  }
0x15a: {  	_ =	swait.ge [sflag:s25], $0x80  }
0x15b: {  	[sflag:s25] =	ssyncset.done $0x0  }
0x15c: {  	[sflag:s25] =	ssyncadd.s32 $0xFFFFFF80  }
0x15d: {  	_ =	swait.ge [sflag:s25], $0x80  }
0x15e: {  	[sflag:s25] =	ssyncset.done $0x0  }
0x15f: {  	[sflag:s25] =	ssyncadd.s32 $0xFFFFFF80  }
0x160: {  	_ =	swait.ge [sflag:s25], $0x80  }
0x161: {  	[sflag:s25] =	ssyncset.done $0x0  }
0x162: {  	[sflag:s25] =	ssyncadd.s32 $0xFFFFFF80  }
0x163: {  	_ =	swait.ge [sflag:s25], $0x80  }
0x164: {  	[sflag:s25] =	ssyncset.done $0x0  }
0x165: {  	[sflag:s25] =	ssyncadd.s32 $0xFFFFFF80  }
0x166: {  	_ =	swait.ge [sflag:s25], $0x80  }
0x167: {  	[sflag:s25] =	ssyncset.done $0x0  }
0x168: {  	[sflag:s25] =	ssyncadd.s32 $0xFFFFFF80  }
0x169: {  	[hbm4b:s21+s1] =	stream.linear.scatter [tilespmem:s2], [sflag:$0x2], $0x80, $0x38;
	[tilespmem:$0xA00] =	vst v63  }
0x16a: {  	s28 =	sadd.s32 $0x40, s21  }
0x16b: {  	[hbm4b:s28+s1] =	stream.linear.scatter [tilespmem:s23], [sflag:$0x2], $0x80, $0x38;
	[tilespmem:$0xA00] =	vst v63  }
0x16c: {  	s31 =	simm.s32 $0x600;
	s30 =	sadd.s32 $0x80, s21  }
0x16d: {  	[hbm4b:s30+s1] =	stream.linear.scatter [tilespmem:s31], [sflag:$0x2], $0x80, $0x38;
	[tilespmem:$0xA00] =	vst v63  }
0x16e: {  	s29 =	simm.s32 $0x800;
	s15 =	sadd.s32 $0xC0, s21  }
0x16f: {  	[hbm4b:s15+s1] =	stream.linear.scatter [tilespmem:s29], [sflag:$0x2], $0x80, $0x38;
	[tilespmem:$0xA00] =	vst v63  }
0x170: {  	_ =	swait.ge [sflag:s3], $0x200  }
0x171: {  	[sflag:s3] =	ssyncset.done $0x0  }
0x172: {  	[sflag:s3] =	ssyncadd.s32 $0xFFFFFE00  }
0x173: {  	[hbm4b:s18+s1] =	stream.linear.scatter [tilespmem:s20], [sflag:$0x2], $0x80, $0x38;
	[tilespmem:$0xA00] =	vst v63  }
0x174: {  	s21 =	sadd.s32 $0x40, s18  }
0x175: {  	[hbm4b:s21+s1] =	stream.linear.scatter [tilespmem:s7], [sflag:$0x2], $0x80, $0x38;
	[tilespmem:$0xA00] =	vst v63  }
0x176: {  	s23 =	sadd.s32 $0x80, s18  }
0x177: {  	[hbm4b:s23+s1] =	stream.linear.scatter [tilespmem:s12], [sflag:$0x2], $0x80, $0x38;
	[tilespmem:$0xA00] =	vst v63  }
0x178: {  	s24 =	sadd.s32 $0xC0, s18  }
0x179: {  	[hbm4b:s24+s1] =	stream.linear.scatter [tilespmem:s6], [sflag:$0x2], $0x80, $0x38;
	[tilespmem:$0xA00] =	vst v63  }
0x17a: {  	_ =	swait.ge [sflag:s3], $0x200  }
0x17b: {  	[sflag:s3] =	ssyncset.done $0x0  }
0x17c: {  	[sflag:s3] =	ssyncadd.s32 $0xFFFFFE00  }
0x17d: {  	[hbm4b:s17+s1] =	stream.linear.scatter [tilespmem:s10], [sflag:$0x2], $0x80, $0x38;
	[tilespmem:$0xA00] =	vst v63  }
0x17e: {  	s25 =	sadd.s32 $0x40, s17  }
0x17f: {  	[hbm4b:s25+s1] =	stream.linear.scatter [tilespmem:s11], [sflag:$0x2], $0x80, $0x38;
	[tilespmem:$0xA00] =	vst v63  }
0x180: {  	s26 =	sadd.s32 $0x80, s17  }
0x181: {  	[hbm4b:s26+s1] =	stream.linear.scatter [tilespmem:s5], [sflag:$0x2], $0x80, $0x38;
	[tilespmem:$0xA00] =	vst v63  }
0x182: {  	s28 =	sadd.s32 $0xC0, s17  }
0x183: {  	[hbm4b:s28+s1] =	stream.linear.scatter [tilespmem:s8], [sflag:$0x2], $0x80, $0x38;
	[tilespmem:$0xA00] =	vst v63  }
0x184: {  	_ =	swait.ge [sflag:s3], $0x200  }
0x185: {  	[sflag:s3] =	ssyncset.done $0x0  }
0x186: {  	[sflag:s3] =	ssyncadd.s32 $0xFFFFFE00  }
0x187: {  	[hbm4b:s16+s1] =	stream.linear.scatter [tilespmem:s13], [sflag:$0x2], $0x80, $0x38;
	[tilespmem:$0xA00] =	vst v63  }
0x188: {  	s29 =	sadd.s32 $0x40, s16  }
0x189: {  	[hbm4b:s29+s1] =	stream.linear.scatter [tilespmem:s14], [sflag:$0x2], $0x80, $0x38;
	[tilespmem:$0xA00] =	vst v63  }
0x18a: {  	s30 =	sadd.s32 $0x80, s16  }
0x18b: {  	[hbm4b:s30+s1] =	stream.linear.scatter [tilespmem:s4], [sflag:$0x2], $0x80, $0x38;
	[tilespmem:$0xA00] =	vst v63  }
0x18c: {  	s31 =	sadd.s32 $0xC0, s16  }
0x18d: {  	[hbm4b:s31+s1] =	stream.linear.scatter [tilespmem:s19], [sflag:$0x2], $0x80, $0x38;
	[tilespmem:$0xA00] =	vst v63  }
0x18e: {  	_ =	swait.ge [sflag:s3], $0x200  }
0x18f: {  	[sflag:s3] =	ssyncset.done $0x0  }
0x190: {  	[sflag:s3] =	ssyncadd.s32 $0xFFFFFE00  }
0x191: {  	_ =	sfence.sel $0x180000  }
0x192: {  	[bflag:$0x0] =	sbarrier.arrive $0xFFFF  }
0x193: {  	p0 =	sne.s32 s9, $0x0;
	_ =	strace $0x90000047  }
0x194: {  	s0 =	sadd.s32 @!p0 $0x100000, s22;
	[bflag:$0x2] =	sbarrier.arrive $0xFFFF  }
0x195: {  	[sflag:s0] =	ssyncadd.tile.s32 @!p0 $0x1;
	_ =	shalt  }
.LBB2_6:
0x196: {  	s22 =	rddreg [dreg:$0x3]  }
.Ltmp3:
0x197: {  	s9 =	stileid.u32;
	s4 =	simm.s32 $0x780;
	(pc) =	sbr.rel .LBB2_5-.Ltmp3, $4  }
0x198: {  	s21 =	rddreg [dreg:$0x8];
	s14 =	simm.s32 $0x580;
	s13 =	simm.s32 $0x380  }
0x199: {  	s11 =	simm.s32 $0x500;
	s10 =	simm.s32 $0x300;
	s8 =	simm.s32 $0x900  }
0x19a: {  	s5 =	simm.s32 $0x700;
	s6 =	simm.s32 $0x880;
	s12 =	simm.s32 $0x680  }
0x19b: {  	s7 =	simm.s32 $0x480;
	s20 =	simm.s32 $0x280;
	s23 =	simm.s32 $0x400  }
.Lfunc_end2:
_tile_overlayer_lowered:
.L_overlay_start_2:
0x19c: {  	(tag) =	ssettag $0x2  }
0x19d: {  	s0 =	rddreg [dreg:$0x0];
	s2 =	stileid.u32  }
0x19e: {  	s1 =	rddreg [dreg:$0x1];
	p0 =	sne.s32 s2, $0x0  }
0x19f: {  	s3 =	rddreg [dreg:$0x2];
	[bflag:$0x3] =	sbarrier.arrive $0xFFFF;
	s2 =	simm.s32 @!p0 $0x1C02  }
0x1a0: {  	[timem:s3], [sflag:s2] =	dma.local @!p0 [hbm:s0], s1  }
0x1a1: {  	s0 =	simm.s32 @!p0 $0x2  }
0x1a2: {  	_ =	swait.ge @!p0 [sflag:s0], s1  }
0x1a3: {  	s1 =	ssub.s32 @!p0 $0x0, s1;
	[sflag:s0] =	ssyncset.done @!p0 $0x0  }
0x1a4: {  	[sflag:s0] =	ssyncadd.s32 @!p0 s1  }
0x1a5: {  	[bflag:$0x3] =	sbarrier.arrive $0xFFFF  }
0x1a6: {  	_ =	shalt  }

</sc_bundles>
